<compile_context>
chip_gen: v7x
topology: tpu7x:2x2x1
jax: 0.10.2.dev20260603
libtpu: 0.0.44.dev20260713+nightly
codegen_flags: <defaults>
</compile_context>

<pallas_src>
import functools
import math

import jax
import jax.numpy as jnp
from jax import lax
from jax.experimental import pallas as pl
from jax.experimental.pallas import tpu as pltpu
from jax.experimental.pallas import tpu_sc as plsc

EPS = 1e-5
K = 16
RT = 256
CT = 512
CH = 8
NEG = -1e30
_GID_BITS = 14
_GID_MASK = (1 << _GID_BITS) - 1
_IMIN = -2**31


def _init_key() -> int:
    import numpy as _np
    b = int(_np.float32(NEG).view(_np.int32))
    mono = b ^ 0x7FFFFFFF if b < 0 else b
    return (mono & ~_GID_MASK) | 0



def _fused_body(n_real, np_,
                x_ref, w1_ref, b1_ref, g1_ref, be1_ref,
                w2_ref, b2_ref, g2_ref, be2_ref,
                w3_ref, b3_ref, ws_ref, bs_ref, wh_ref, bh_ref,
                brow_ref, bcol_ref,
                xo_ref, hp_ref, idx_ref, ew_ref,
                a1_s, a2_s, s_s, st1_s, st2_s, bk_ref):
    g = np_ // RT
    nct = np_ // CT
    i = pl.program_id(0)
    inv_n = jnp.float32(1.0 / n_real)

    def mm(a, w):
        return lax.dot_general(a, w, (((1,), (0,)), ((), ())),
                               preferred_element_type=jnp.float32)

    def stats_part(z, j):
        row = j * RT + lax.broadcasted_iota(jnp.int32, z.shape, 0)
        zm = jnp.where(row < n_real, z, 0.0)
        s0 = jnp.sum(zm, axis=0)
        s1 = jnp.sum(zm * zm, axis=0)
        ri = lax.broadcasted_iota(jnp.int32, (8, z.shape[1]), 0)
        return (jnp.where(ri == 0, s0[None, :], 0.0)
                + jnp.where(ri == 1, s1[None, :], 0.0))

    def bn_affine(st_ref, g_ref, be_ref):
        st = st_ref[...]
        mean = st[0:1, :] * inv_n
        var = st[1:2, :] * inv_n - mean * mean
        scale = g_ref[...] * lax.rsqrt(var + EPS)
        return scale, be_ref[...] - mean * scale

    @pl.when(i < g)
    def _():
        j = i
        z = jnp.maximum(mm(x_ref[...], w1_ref[...]) + b1_ref[...], 0.0)
        a1_s[pl.ds(j * RT, RT), :] = z
        part = stats_part(z, j)

        @pl.when(j == 0)
        def _():
            st1_s[...] = part

        @pl.when(j > 0)
        def _():
            st1_s[...] = st1_s[...] + part

    @pl.when(jnp.logical_and(i >= g, i < 2 * g))
    def _():
        j = i - g
        scale, shift = bn_affine(st1_s, g1_ref, be1_ref)
        h = a1_s[pl.ds(j * RT, RT), :] * scale + shift
        z = jnp.maximum(mm(h, w2_ref[...]) + b2_ref[...], 0.0)
        a2_s[pl.ds(j * RT, RT), :] = z
        part = stats_part(z, j)

        @pl.when(j == 0)
        def _():
            st2_s[...] = part

        @pl.when(j > 0)
        def _():
            st2_s[...] = st2_s[...] + part

    @pl.when(jnp.logical_and(i >= 2 * g, i < 3 * g))
    def _():
        j = i - 2 * g
        scale, shift = bn_affine(st2_s, g2_ref, be2_ref)
        h = a2_s[pl.ds(j * RT, RT), :] * scale + shift
        xo = mm(h, w3_ref[...]) + b3_ref[...]
        xo_ref[...] = xo
        s_s[pl.ds(j * RT, RT), :] = mm(xo, ws_ref[...]) + bs_ref[...]
        hp_ref[...] = mm(xo, wh_ref[...]) + bh_ref[...]

    @pl.when(i >= 3 * g)
    def _():
        r = i - 3 * g
        bk_ref[...] = jnp.full((K, RT), _init_key(), jnp.int32)
        rmin = bcol_ref[r * RT, 0]
        rmax = bcol_ref[r * RT + RT - 1, 0]

        def col_body(c, carry):
            ovl = jnp.logical_and(rmax >= bcol_ref[c * CT, 0],
                                  rmin <= bcol_ref[c * CT + CT - 1, 0])

            @pl.when(ovl)
            def _():
                brt = brow_ref[0:1, pl.ds(r * RT, RT)]
                bct = bcol_ref[pl.ds(c * CT, CT), 0:1]
                sr = s_s[pl.ds(r * RT, RT), :]
                scn = s_s[pl.ds(c * CT, CT), :]
                sqr = jnp.sum(sr * sr, axis=1)[None, :]
                sqc = jnp.sum(scn * scn, axis=1)[:, None]
                dott = lax.dot_general(scn, sr, (((1,), (1,)), ((), ())),
                                       preferred_element_type=jnp.float32,
                                       precision=lax.Precision.HIGHEST)
                d2 = (sqc + sqr) - 2.0 * dott
                neg = jnp.where(bct == brt, -d2, NEG)
                bb = lax.bitcast_convert_type(neg, jnp.int32)
                mono = bb ^ (lax.shift_right_arithmetic(bb, 31)
                             & jnp.int32(0x7FFFFFFF))
                gid = c * CT + lax.broadcasted_iota(jnp.int32, (CT, RT), 0)
                keys = ((mono & jnp.int32(~_GID_MASK))
                        | (jnp.int32(_GID_MASK) - gid))
                cands = jnp.concatenate([bk_ref[...], keys], axis=0)
                kit = lax.broadcasted_iota(jnp.int32, (K, RT), 0)
                nb = jnp.full((K, RT), _init_key(), jnp.int32)
                for k in range(K):
                    m = jnp.max(cands, axis=0)
                    cands = jnp.where(cands == m[None, :], jnp.int32(_IMIN),
                                      cands)
                    nb = jnp.where(kit == k, m[None, :], nb)
                bk_ref[...] = nb

            return carry

        lax.fori_loop(0, nct, col_body, 0)
        kk = bk_ref[...]
        idx_ref[...] = jnp.int32(_GID_MASK) - (kk & jnp.int32(_GID_MASK))
        vb = kk ^ (lax.shift_right_arithmetic(kk, 31) & jnp.int32(0x7FFFFFFF))
        ew_ref[...] = jnp.exp(10.0 * lax.bitcast_convert_type(vb, jnp.float32))


def _fused(x, w1, b1, g1, be1, w2, b2, g2, be2, w3, b3, ws, bs, wh, bh,
           brow, bcol, n_real):
    np_, din = x.shape
    assert np_ <= _GID_MASK + 1
    hid = w1.shape[1]
    do_ = w3.shape[1]
    ds_ = ws.shape[1]
    dh = wh.shape[1]
    g = np_ // RT
    full = lambda i: (0, 0)
    return pl.pallas_call(
        functools.partial(_fused_body, n_real, np_),
        grid=(4 * g,),
        in_specs=[
            pl.BlockSpec((RT, din), lambda i: (jnp.minimum(i, g - 1), 0)),
            pl.BlockSpec((din, hid), full),
            pl.BlockSpec((1, hid), full),
            pl.BlockSpec((1, hid), full),
            pl.BlockSpec((1, hid), full),
            pl.BlockSpec((hid, hid), full),
            pl.BlockSpec((1, hid), full),
            pl.BlockSpec((1, hid), full),
            pl.BlockSpec((1, hid), full),
            pl.BlockSpec((hid, do_), full),
            pl.BlockSpec((1, do_), full),
            pl.BlockSpec((do_, ds_), full),
            pl.BlockSpec((1, ds_), full),
            pl.BlockSpec((do_, dh), full),
            pl.BlockSpec((1, dh), full),
            pl.BlockSpec((1, np_), full),
            pl.BlockSpec((np_, 1), full),
        ],
        out_specs=[
            pl.BlockSpec((RT, do_),
                         lambda i: (jnp.clip(i - 2 * g, 0, g - 1), 0)),
            pl.BlockSpec((RT, dh),
                         lambda i: (jnp.clip(i - 2 * g, 0, g - 1), 0)),
            pl.BlockSpec((K, RT),
                         lambda i: (0, jnp.clip(i - 3 * g, 0, g - 1))),
            pl.BlockSpec((K, RT),
                         lambda i: (0, jnp.clip(i - 3 * g, 0, g - 1))),
        ],
        out_shape=[
            jax.ShapeDtypeStruct((np_, do_), jnp.float32),
            jax.ShapeDtypeStruct((np_, dh), jnp.float32),
            jax.ShapeDtypeStruct((K, np_), jnp.int32),
            jax.ShapeDtypeStruct((K, np_), jnp.float32),
        ],
        scratch_shapes=[
            pltpu.VMEM((np_, hid), jnp.float32),
            pltpu.VMEM((np_, hid), jnp.float32),
            pltpu.VMEM((np_, ds_), jnp.float32),
            pltpu.VMEM((8, hid), jnp.float32),
            pltpu.VMEM((8, hid), jnp.float32),
            pltpu.VMEM((K, RT), jnp.int32),
        ],
    )(x, w1, b1, g1, be1, w2, b2, g2, be2, w3, b3, ws, bs, wh, bh,
      brow, bcol)



def _sc_aggregate(hp, idxf, ewf, p):
    np_, pw = hp.shape
    info = plsc.get_sparse_core_info()
    nw = info.num_cores * info.num_subcores
    lanes = info.num_lanes
    npw = np_ // nw
    nch = npw // CH
    nf = p // lanes
    mesh = plsc.VectorSubcoreMesh(core_axis_name="c", subcore_axis_name="s")

    @functools.partial(
        pl.kernel, mesh=mesh,
        compiler_params=pltpu.CompilerParams(needs_layout_passes=False),
        out_type=jax.ShapeDtypeStruct((np_, 2 * p), jnp.float32),
        scratch_types=[
            pltpu.VMEM((npw * K,), jnp.int32),
            pltpu.VMEM((npw * K,), jnp.float32),
            pltpu.VMEM((CH * K, pw), jnp.float32),
            pltpu.VMEM((CH * K, pw), jnp.float32),
            pltpu.VMEM((npw, 2 * p), jnp.float32),
            pltpu.SemaphoreType.DMA,
            pltpu.SemaphoreType.DMA,
        ],
    )
    def agg_kernel(hp_hbm, idx_hbm, ew_hbm, out_hbm, idx_v, ew_v, rows_a,
                   rows_b, agg_v, sem_a, sem_b):
        wid = lax.axis_index("s") * info.num_cores + lax.axis_index("c")
        base = wid * npw
        pltpu.sync_copy(idx_hbm.at[pl.ds(base * K, npw * K)], idx_v)
        pltpu.sync_copy(ew_hbm.at[pl.ds(base * K, npw * K)], ew_v)

        def fire(j, buf, sem):
            pltpu.async_copy(
                hp_hbm.at[idx_v.at[pl.ds(j * CH * K, CH * K)]], buf, sem)

        def drain(j, buf, sem):
            pltpu.make_async_copy(
                hp_hbm.at[idx_v.at[pl.ds(j * CH * K, CH * K)]], buf, sem
            ).wait()

        def compute(j, rows_v):
            def node_body(n8, carry2):
                node = j * CH + n8

                def k_body(k, kc):
                    accs, mxs = kc
                    erep = plsc.load_gather(
                        ew_v, [jnp.full((lanes,), node * K + k, jnp.int32)])
                    na = []
                    nm = []
                    for f in range(nf):
                        rowv = rows_v[n8 * K + k, pl.ds(f * lanes, lanes)]
                        prod = rowv * erep
                        na.append(accs[f] + prod)
                        nm.append(jnp.maximum(mxs[f], prod))
                    return tuple(na), tuple(nm)

                zero = jnp.zeros((lanes,), jnp.float32)
                ninf = jnp.full((lanes,), -jnp.inf, jnp.float32)
                accs, mxs = lax.fori_loop(
                    0, K, k_body, ((zero,) * nf, (ninf,) * nf))
                inv_k = jnp.float32(1.0 / K)
                for f in range(nf):
                    agg_v[node, pl.ds(f * lanes, lanes)] = accs[f] * inv_k
                    agg_v[node, pl.ds(p + f * lanes, lanes)] = mxs[f]
                return carry2

            lax.fori_loop(0, CH, node_body, 0)

        fire(0, rows_a, sem_a)

        def pair_body(i, carry):
            j = 2 * i
            drain(j, rows_a, sem_a)
            fire(j + 1, rows_b, sem_b)
            compute(j, rows_a)
            drain(j + 1, rows_b, sem_b)

            @pl.when(i + 1 < nch // 2)
            def _():
                fire(j + 2, rows_a, sem_a)

            compute(j + 1, rows_b)
            return carry

        lax.fori_loop(0, nch // 2, pair_body, 0)
        pltpu.sync_copy(agg_v, out_hbm.at[pl.ds(base, npw)])

    return agg_kernel(hp, idxf, ewf)



def _head_body(n_real, np_, xo_ref, ag_ref, wo1_ref, wo2_ref, bo2_ref,
               g3_ref, be3_ref, fin_ref, out_s, st_ref):
    g = np_ // RT
    i = pl.program_id(0)
    inv_n = jnp.float32(1.0 / n_real)

    @pl.when(i < g)
    def _():
        j = i
        z = (lax.dot_general(xo_ref[...], wo1_ref[...],
                             (((1,), (0,)), ((), ())),
                             preferred_element_type=jnp.float32)
             + lax.dot_general(ag_ref[...], wo2_ref[...],
                               (((1,), (0,)), ((), ())),
                               preferred_element_type=jnp.float32)
             + bo2_ref[...])
        out_s[pl.ds(j * RT, RT), :] = z
        row = j * RT + lax.broadcasted_iota(jnp.int32, z.shape, 0)
        zm = jnp.where(row < n_real, z, 0.0)
        s0 = jnp.sum(zm, axis=0)
        s1 = jnp.sum(zm * zm, axis=0)
        ri = lax.broadcasted_iota(jnp.int32, (8, z.shape[1]), 0)
        part = (jnp.where(ri == 0, s0[None, :], 0.0)
                + jnp.where(ri == 1, s1[None, :], 0.0))

        @pl.when(j == 0)
        def _():
            st_ref[...] = part

        @pl.when(j > 0)
        def _():
            st_ref[...] = st_ref[...] + part

    @pl.when(i >= g)
    def _():
        j = i - g
        st = st_ref[...]
        mean = st[0:1, :] * inv_n
        var = st[1:2, :] * inv_n - mean * mean
        scale = g3_ref[...] * lax.rsqrt(var + EPS)
        shift = be3_ref[...] - mean * scale
        fin_ref[...] = out_s[pl.ds(j * RT, RT), :] * scale + shift


def _head(xo, ag, wo1, wo2, bo2, g3, be3, n_real):
    np_, d = xo.shape
    da = ag.shape[1]
    dout = wo1.shape[1]
    g = np_ // RT
    full = lambda i: (0, 0)
    return pl.pallas_call(
        functools.partial(_head_body, n_real, np_),
        grid=(2 * g,),
        in_specs=[
            pl.BlockSpec((RT, d), lambda i: (jnp.minimum(i, g - 1), 0)),
            pl.BlockSpec((RT, da), lambda i: (jnp.minimum(i, g - 1), 0)),
            pl.BlockSpec((d, dout), full),
            pl.BlockSpec((da, dout), full),
            pl.BlockSpec((1, dout), full),
            pl.BlockSpec((1, dout), full),
            pl.BlockSpec((1, dout), full),
        ],
        out_specs=pl.BlockSpec((RT, dout),
                               lambda i: (jnp.clip(i - g, 0, g - 1), 0)),
        out_shape=jax.ShapeDtypeStruct((np_, dout), jnp.float32),
        scratch_shapes=[
            pltpu.VMEM((np_, dout), jnp.float32),
            pltpu.VMEM((8, dout), jnp.float32),
        ],
    )(xo, ag, wo1, wo2, bo2, g3, be3)



def _forward(x, batch, W1, b1, g1, be1, W2, b2, g2, be2, W3, b3,
             Ws, bs, Wh, bh, Wo1, Wo2, bo2, g3, be3):
    n, din = x.shape
    np_ = int(math.ceil(n / 512.0)) * 512
    pad = np_ - n
    xp = jnp.pad(x, ((0, pad), (0, 0)))
    bp = jnp.pad(batch.astype(jnp.int32), (0, pad),
                 constant_values=jnp.int32(0x7FFFFFF))
    p_dim = Wh.shape[1]
    p_pad = 128 - p_dim
    wh_w = jnp.pad(Wh, ((0, 0), (0, p_pad)))
    bh_w = jnp.pad(bh, (0, p_pad))

    xo, hp, idx_t, ew_t = _fused(
        xp, W1, b1[None, :], g1[None, :], be1[None, :],
        W2, b2[None, :], g2[None, :], be2[None, :],
        W3, b3[None, :], Ws, bs[None, :], wh_w, bh_w[None, :],
        bp[None, :], bp[:, None], n)
    agg = _sc_aggregate(hp, idx_t.T.reshape(-1), ew_t.T.reshape(-1), p_dim)
    fin = _head(xo, agg, Wo1, Wo2, bo2[None, :], g3[None, :], be3[None, :],
                n)
    return fin[:n]


def kernel(x, batch, W1, b1, g1, be1, W2, b2, g2, be2, W3, b3,
           Ws, bs, Wh, bh, Wo1, Wo2, bo2, g3, be3):
    return _forward(x, batch, W1, b1, g1, be1, W2, b2, g2, be2, W3, b3,
                    Ws, bs, Wh, bh, Wo1, Wo2, bo2, g3, be3)

# --- scband reference (transcript-rebuilt; emitter-appended) ---
"""Pipeline reference for scband-b2-grav-net-block-21887153340469 (READ-ONLY COPY).

The authoritative reference and input builder live on the scoring server;
editing this copy changes nothing except your own understanding.
"""

import jax, jax.numpy as jnp
import numpy as np

N = 10000
IN_CH = 128
HID = 128
OUT_CH = 128
S_DIM = 16
P_DIM = 64
K = 16
NUM_GRAPHS = 16
EPS = 1e-5


def setup_inputs(seed: int = 0) -> dict:
    key = jax.random.key(seed)
    ks = jax.random.split(key, 16)

    def w(i, shape):
        return jax.random.normal(ks[i], shape, dtype=jnp.float32) * 0.05

    inp = {
        "x": jax.random.normal(ks[0], (N, IN_CH), dtype=jnp.float32),
        "batch": jnp.sort(jax.random.randint(ks[1], (N,), 0, NUM_GRAPHS, dtype=jnp.int64)),
        "W1": w(2, (IN_CH, HID)), "b1": jnp.zeros((HID,), jnp.float32),
        "g1": jnp.ones((HID,), jnp.float32), "be1": jnp.zeros((HID,), jnp.float32),
        "W2": w(3, (HID, HID)), "b2": jnp.zeros((HID,), jnp.float32),
        "g2": jnp.ones((HID,), jnp.float32), "be2": jnp.zeros((HID,), jnp.float32),
        "W3": w(4, (HID, OUT_CH)), "b3": jnp.zeros((OUT_CH,), jnp.float32),
        "Ws": w(5, (OUT_CH, S_DIM)), "bs": jnp.zeros((S_DIM,), jnp.float32),
        "Wh": w(6, (OUT_CH, P_DIM)), "bh": jnp.zeros((P_DIM,), jnp.float32),
        "Wo1": w(7, (OUT_CH, OUT_CH)),
        "Wo2": w(8, (2 * P_DIM, OUT_CH)), "bo2": jnp.zeros((OUT_CH,), jnp.float32),
        "g3": jnp.ones((OUT_CH,), jnp.float32), "be3": jnp.zeros((OUT_CH,), jnp.float32),
    }
    return inp


def _bn(x, g, b):
    # BatchNorm1d in training mode (fresh module): batch statistics, biased variance
    m = jnp.mean(x, axis=0)
    v = jnp.mean((x - m) ** 2, axis=0)
    return g * (x - m) / jnp.sqrt(v + EPS) + b


def reference(x, batch, W1, b1, g1, be1, W2, b2, g2, be2, W3, b3,
              Ws, bs, Wh, bh, Wo1, Wo2, bo2, g3, be3):
    # pre_gravnet: Linear -> Dropout(eval=identity) -> ReLU -> BN -> Linear -> Dropout -> ReLU -> BN -> Linear
    h = _bn(jax.nn.relu(x @ W1 + b1), g1, be1)
    h = _bn(jax.nn.relu(h @ W2 + b2), g2, be2)
    xo = h @ W3 + b3

    # GravNetConv
    s = xo @ Ws + bs            # learned spatial coords [N, S_DIM]
    hp = xo @ Wh + bh           # propagated features   [N, P_DIM]

    # kNN in learned space, restricted to same-graph nodes (batch vector)
    ssg = jax.lax.stop_gradient(s)
    sq = jnp.sum(ssg * ssg, axis=1)
    d2 = sq[:, None] + sq[None, :] - 2.0 * (ssg @ ssg.T)
    same = batch[:, None] == batch[None, :]
    _, idx = jax.lax.top_k(jnp.where(same, -d2, -jnp.inf), K)   # [N, K] neighbor (source) indices per target

    # edge weights recomputed exactly (differentiable path through s)
    s_nbr = jnp.take(s, idx, axis=0)                            # [N, K, S_DIM]
    ew = jnp.exp(-10.0 * jnp.sum((s_nbr - s[:, None, :]) ** 2, axis=-1))  # [N, K]

    # message = h_j * w_ij; aggregate = concat(mean, max) over the K neighbors
    msg = jnp.take(hp, idx, axis=0) * ew[:, :, None]            # [N, K, P_DIM]
    agg = jnp.concatenate([jnp.mean(msg, axis=1), jnp.max(msg, axis=1)], axis=-1)  # [N, 2*P_DIM]

    out = xo @ Wo1 + agg @ Wo2 + bo2

    # post_gravnet: BatchNorm1d
    return _bn(out, g3, be3)

if __name__ == "__main__":
    import jax
    _d = setup_inputs()
    print(jax.jit(kernel)(*tuple(_d.values())))

</pallas_src>

<mosaic_0001>
#map = affine_map<(d0, d1) -> (0, 0)>
#map1 = affine_map<(d0, d1) -> (0)>
module attributes {stable_mosaic.version = 14 : i64} {
  func.func @agg_kernel(%arg0: i32, %arg1: i32, %arg2: memref<10240x128xf32, #tpu.memory_space<hbm>>, %arg3: memref<163840xi32, #tpu.memory_space<hbm>>, %arg4: memref<163840xf32, #tpu.memory_space<hbm>>, %arg5: memref<10240x128xf32, #tpu.memory_space<hbm>>, %arg6: memref<5120xi32, #tpu.memory_space<vmem>>, %arg7: memref<5120xf32, #tpu.memory_space<vmem>>, %arg8: memref<128x128xf32, #tpu.memory_space<vmem>>, %arg9: memref<128x128xf32, #tpu.memory_space<vmem>>, %arg10: memref<320x128xf32, #tpu.memory_space<vmem>>, %arg11: memref<!tpu.dma_semaphore, #tpu.memory_space<semaphore_mem>>, %arg12: memref<!tpu.dma_semaphore, #tpu.memory_space<semaphore_mem>>) attributes {dimension_semantics = [#tpu.dimension_semantics<core_parallel>, #tpu.dimension_semantics<subcore_parallel>], iteration_bounds = array<i64: 2, 16>, scalar_prefetch = 0 : i64, scratch_operands = 7 : i64, tpu.core_type = #tpu.core_type<sc_vector_subcore>, window_params = [{transform_indices = #map}, {transform_indices = #map1}, {transform_indices = #map1}, {transform_indices = #map}]} {
    %mul3A = arith.constant 2 : i32
    %mul3A_0 = arith.muli %arg1, %mul3A : i32
    %add3A = arith.addi %mul3A_0, %arg0 : i32
    %mul3A_1 = arith.constant 320 : i32
    %mul3A_2 = arith.muli %add3A, %mul3A_1 : i32
    %mul3A_3 = arith.constant 16 : i32
    %mul3A_4 = arith.muli %mul3A_2, %mul3A_3 : i32
    "tpu.region"() ({
      %run_scoped3A = tpu.sem_alloc : memref<!tpu.dma_semaphore, #tpu.memory_space<semaphore_mem>>
      %dma_start3A_16 = tpu.memref_slice %arg3[%mul3A_4] : memref<163840xi32, #tpu.memory_space<hbm>> -> memref<5120xi32, #tpu.memory_space<hbm>>
      %dma_start3A_17 = tpu.memref_slice %arg3[%mul3A_4] : memref<163840xi32, #tpu.memory_space<hbm>> -> memref<5120xi32, #tpu.memory_space<hbm>>
      tpu.enqueue_dma source(%dma_start3A_17 : memref<5120xi32, #tpu.memory_space<hbm>>) target(%arg6 : memref<5120xi32, #tpu.memory_space<vmem>>) target_semaphore(%run_scoped3A : memref<!tpu.dma_semaphore, #tpu.memory_space<semaphore_mem>>)
      %dma_wait3A = tpu.memref_slice %arg3[%mul3A_4] : memref<163840xi32, #tpu.memory_space<hbm>> -> memref<5120xi32, #tpu.memory_space<hbm>>
      %dma_wait3A_18 = tpu.memref_slice %arg3[%mul3A_4] : memref<163840xi32, #tpu.memory_space<hbm>> -> memref<5120xi32, #tpu.memory_space<hbm>>
      tpu.wait_dma2 semaphore(%run_scoped3A : memref<!tpu.dma_semaphore, #tpu.memory_space<semaphore_mem>>) src(%dma_wait3A_18 : memref<5120xi32, #tpu.memory_space<hbm>>) dst(%arg6 : memref<5120xi32, #tpu.memory_space<vmem>>)
      tpu.yield
    }) : () -> ()
    %mul3A_5 = arith.constant 16 : i32
    %mul3A_6 = arith.muli %mul3A_2, %mul3A_5 : i32
    "tpu.region"() ({
      %run_scoped3A = tpu.sem_alloc : memref<!tpu.dma_semaphore, #tpu.memory_space<semaphore_mem>>
      %dma_start3A_16 = tpu.memref_slice %arg4[%mul3A_6] : memref<163840xf32, #tpu.memory_space<hbm>> -> memref<5120xf32, #tpu.memory_space<hbm>>
      %dma_start3A_17 = tpu.memref_slice %arg4[%mul3A_6] : memref<163840xf32, #tpu.memory_space<hbm>> -> memref<5120xf32, #tpu.memory_space<hbm>>
      tpu.enqueue_dma source(%dma_start3A_17 : memref<5120xf32, #tpu.memory_space<hbm>>) target(%arg7 : memref<5120xf32, #tpu.memory_space<vmem>>) target_semaphore(%run_scoped3A : memref<!tpu.dma_semaphore, #tpu.memory_space<semaphore_mem>>)
      %dma_wait3A = tpu.memref_slice %arg4[%mul3A_6] : memref<163840xf32, #tpu.memory_space<hbm>> -> memref<5120xf32, #tpu.memory_space<hbm>>
      %dma_wait3A_18 = tpu.memref_slice %arg4[%mul3A_6] : memref<163840xf32, #tpu.memory_space<hbm>> -> memref<5120xf32, #tpu.memory_space<hbm>>
      tpu.wait_dma2 semaphore(%run_scoped3A : memref<!tpu.dma_semaphore, #tpu.memory_space<semaphore_mem>>) src(%dma_wait3A_18 : memref<5120xf32, #tpu.memory_space<hbm>>) dst(%arg7 : memref<5120xf32, #tpu.memory_space<vmem>>)
      tpu.yield
    }) : () -> ()
    %dma_start3A = arith.constant 0 : i32
    %dma_start3A_7 = tpu.memref_slice %arg6[%dma_start3A] : memref<5120xi32, #tpu.memory_space<vmem>> -> memref<128xi32, #tpu.memory_space<vmem>>
    %dma_start3A_8 = arith.constant 0 : i32
    %dma_start3A_9 = arith.constant 0 : i32
    %dma_start3A_10 = tpu.memref_slice %arg2[%dma_start3A_8, %dma_start3A_9] : memref<10240x128xf32, #tpu.memory_space<hbm>> -> memref<10240x128xf32, #tpu.memory_space<hbm>>
    tpu.enqueue_indirect_dma source(%dma_start3A_10 : memref<10240x128xf32, #tpu.memory_space<hbm>>) target(%arg8 : memref<128x128xf32, #tpu.memory_space<vmem>>) offsets(%dma_start3A_7 : memref<128xi32, #tpu.memory_space<vmem>>) semaphore(%arg11 : memref<!tpu.dma_semaphore, #tpu.memory_space<semaphore_mem>>)
    %scan3A = arith.constant 0 : i32
    %scan3A_11 = arith.constant 0 : i32
    %scan3A_12 = arith.constant 20 : i32
    %scan3A_13 = arith.addi %scan3A_11, %scan3A_12 : i32
    %scan3A_14 = arith.constant 1 : i32
    scf.for %scan3A_16 = %scan3A_11 to %scan3A_13 step %scan3A_14  : i32 {
      %mul3A_17 = arith.constant 2 : i32
      %mul3A_18 = arith.muli %mul3A_17, %scan3A_16 : i32
      %mul3A_19 = arith.constant 8 : i32
      %mul3A_20 = arith.muli %mul3A_18, %mul3A_19 : i32
      %mul3A_21 = arith.constant 16 : i32
      %mul3A_22 = arith.muli %mul3A_20, %mul3A_21 : i32
      %dma_wait3A = tpu.memref_slice %arg6[%mul3A_22] : memref<5120xi32, #tpu.memory_space<vmem>> -> memref<128xi32, #tpu.memory_space<vmem>>
      %dma_wait3A_23 = arith.constant 0 : i32
      %dma_wait3A_24 = arith.constant 0 : i32
      %dma_wait3A_25 = tpu.memref_slice %arg2[%dma_wait3A_23, %dma_wait3A_24] : memref<10240x128xf32, #tpu.memory_space<hbm>> -> memref<10240x128xf32, #tpu.memory_space<hbm>>
      tpu.wait_indirect_dma semaphore(%arg11 : memref<!tpu.dma_semaphore, #tpu.memory_space<semaphore_mem>>) src(%dma_wait3A_25 : memref<10240x128xf32, #tpu.memory_space<hbm>>) dst(%arg8 : memref<128x128xf32, #tpu.memory_space<vmem>>)
      %add3A_26 = arith.constant 1 : i32
      %add3A_27 = arith.addi %mul3A_18, %add3A_26 : i32
      %mul3A_28 = arith.constant 8 : i32
      %mul3A_29 = arith.muli %add3A_27, %mul3A_28 : i32
      %mul3A_30 = arith.constant 16 : i32
      %mul3A_31 = arith.muli %mul3A_29, %mul3A_30 : i32
      %dma_start3A_32 = tpu.memref_slice %arg6[%mul3A_31] : memref<5120xi32, #tpu.memory_space<vmem>> -> memref<128xi32, #tpu.memory_space<vmem>>
      %dma_start3A_33 = arith.constant 0 : i32
      %dma_start3A_34 = arith.constant 0 : i32
      %dma_start3A_35 = tpu.memref_slice %arg2[%dma_start3A_33, %dma_start3A_34] : memref<10240x128xf32, #tpu.memory_space<hbm>> -> memref<10240x128xf32, #tpu.memory_space<hbm>>
      tpu.enqueue_indirect_dma source(%dma_start3A_35 : memref<10240x128xf32, #tpu.memory_space<hbm>>) target(%arg9 : memref<128x128xf32, #tpu.memory_space<vmem>>) offsets(%dma_start3A_32 : memref<128xi32, #tpu.memory_space<vmem>>) semaphore(%arg12 : memref<!tpu.dma_semaphore, #tpu.memory_space<semaphore_mem>>)
      %scan3A_36 = arith.constant 0 : i32
      %scan3A_37 = arith.constant 0 : i32
      %scan3A_38 = arith.constant 8 : i32
      %scan3A_39 = arith.addi %scan3A_37, %scan3A_38 : i32
      %scan3A_40 = arith.constant 1 : i32
      scf.for %scan3A_64 = %scan3A_37 to %scan3A_39 step %scan3A_40  : i32 {
        %mul3A_65 = arith.constant 8 : i32
        %mul3A_66 = arith.muli %mul3A_18, %mul3A_65 : i32
        %add3A_67 = arith.addi %mul3A_66, %scan3A_64 : i32
        %broadcast_in_dim3A = arith.constant 0.000000e+00 : f32
        %broadcast_in_dim3A_68 = vector.broadcast %broadcast_in_dim3A : f32 to vector<16xf32>
        %broadcast_in_dim3A_69 = arith.constant 0xFF800000 : f32
        %broadcast_in_dim3A_70 = vector.broadcast %broadcast_in_dim3A_69 : f32 to vector<16xf32>
        %scan3A_71 = arith.constant 0 : i32
        %scan3A_72 = arith.constant 16 : i32
        %scan3A_73 = arith.addi %scan3A_71, %scan3A_72 : i32
        %scan3A_74 = arith.constant 1 : i32
        %scan3A_75:8 = scf.for %scan3A_112 = %scan3A_71 to %scan3A_73 step %scan3A_74 iter_args(%scan3A_113 = %broadcast_in_dim3A_68, %scan3A_114 = %broadcast_in_dim3A_68, %scan3A_115 = %broadcast_in_dim3A_68, %scan3A_116 = %broadcast_in_dim3A_68, %scan3A_117 = %broadcast_in_dim3A_70, %scan3A_118 = %broadcast_in_dim3A_70, %scan3A_119 = %broadcast_in_dim3A_70, %scan3A_120 = %broadcast_in_dim3A_70) -> (vector<16xf32>, vector<16xf32>, vector<16xf32>, vector<16xf32>, vector<16xf32>, vector<16xf32>, vector<16xf32>, vector<16xf32>)  : i32 {
          %mul3A_121 = arith.constant 16 : i32
          %mul3A_122 = arith.muli %add3A_67, %mul3A_121 : i32
          %add3A_123 = arith.addi %mul3A_122, %scan3A_112 : i32
          %broadcast_in_dim3A_124 = vector.broadcast %add3A_123 : i32 to vector<16xi32>
          %gather3A = tpu.vector_load_idx %arg7[%broadcast_in_dim3A_124] : memref<5120xf32, #tpu.memory_space<vmem>>[vector<16xi32>], vector<16xf32>,
          %mul3A_125 = arith.constant 16 : i32
          %mul3A_126 = arith.muli %scan3A_64, %mul3A_125 : i32
          %add3A_127 = arith.addi %mul3A_126, %scan3A_112 : i32
          %get3A = arith.index_cast %add3A_127 : i32 to index
          %get3A_128 = arith.constant 0 : index
          %get3A_129 = tpu.vector_load %arg8[%get3A, %get3A_128] {strides = array<i32>} : memref<128x128xf32, #tpu.memory_space<vmem>>, vector<16xf32>,
          %mul3A_130 = arith.mulf %get3A_129, %gather3A : vector<16xf32>
          %add3A_131 = arith.addf %scan3A_113, %mul3A_130 : vector<16xf32>
          %max3A = arith.maximumf %scan3A_117, %mul3A_130 : vector<16xf32>
          %mul3A_132 = arith.constant 16 : i32
          %mul3A_133 = arith.muli %scan3A_64, %mul3A_132 : i32
          %add3A_134 = arith.addi %mul3A_133, %scan3A_112 : i32
          %get3A_135 = arith.index_cast %add3A_134 : i32 to index
          %get3A_136 = arith.constant 16 : index
          %get3A_137 = tpu.vector_load %arg8[%get3A_135, %get3A_136] {strides = array<i32>} : memref<128x128xf32, #tpu.memory_space<vmem>>, vector<16xf32>,
          %mul3A_138 = arith.mulf %get3A_137, %gather3A : vector<16xf32>
          %add3A_139 = arith.addf %scan3A_114, %mul3A_138 : vector<16xf32>
          %max3A_140 = arith.maximumf %scan3A_118, %mul3A_138 : vector<16xf32>
          %mul3A_141 = arith.constant 16 : i32
          %mul3A_142 = arith.muli %scan3A_64, %mul3A_141 : i32
          %add3A_143 = arith.addi %mul3A_142, %scan3A_112 : i32
          %get3A_144 = arith.index_cast %add3A_143 : i32 to index
          %get3A_145 = arith.constant 32 : index
          %get3A_146 = tpu.vector_load %arg8[%get3A_144, %get3A_145] {strides = array<i32>} : memref<128x128xf32, #tpu.memory_space<vmem>>, vector<16xf32>,
          %mul3A_147 = arith.mulf %get3A_146, %gather3A : vector<16xf32>
          %add3A_148 = arith.addf %scan3A_115, %mul3A_147 : vector<16xf32>
          %max3A_149 = arith.maximumf %scan3A_119, %mul3A_147 : vector<16xf32>
          %mul3A_150 = arith.constant 16 : i32
          %mul3A_151 = arith.muli %scan3A_64, %mul3A_150 : i32
          %add3A_152 = arith.addi %mul3A_151, %scan3A_112 : i32
          %get3A_153 = arith.index_cast %add3A_152 : i32 to index
          %get3A_154 = arith.constant 48 : index
          %get3A_155 = tpu.vector_load %arg8[%get3A_153, %get3A_154] {strides = array<i32>} : memref<128x128xf32, #tpu.memory_space<vmem>>, vector<16xf32>,
          %mul3A_156 = arith.mulf %get3A_155, %gather3A : vector<16xf32>
          %add3A_157 = arith.addf %scan3A_116, %mul3A_156 : vector<16xf32>
          %max3A_158 = arith.maximumf %scan3A_120, %mul3A_156 : vector<16xf32>
          scf.yield %add3A_131, %add3A_139, %add3A_148, %add3A_157, %max3A, %max3A_140, %max3A_149, %max3A_158 : vector<16xf32>, vector<16xf32>, vector<16xf32>, vector<16xf32>, vector<16xf32>, vector<16xf32>, vector<16xf32>, vector<16xf32>
        }
        %scan3A_76 = arith.constant 16 : i32
        %mul3A_77 = arith.constant 6.250000e-02 : f32
        %mul3A_78 = vector.broadcast %mul3A_77 : f32 to vector<16xf32>
        %mul3A_79 = arith.mulf %scan3A_75#0, %mul3A_78 : vector<16xf32>
        %swap3A = arith.index_cast %add3A_67 : i32 to index
        %swap3A_80 = arith.constant 0 : index
        %swap3A_81 = tpu.vector_load %arg10[%swap3A, %swap3A_80] {strides = array<i32>} : memref<320x128xf32, #tpu.memory_space<vmem>>, vector<16xf32>,
        tpu.vector_store %arg10[%swap3A, %swap3A_80], %mul3A_79 {strides = array<i32>} : memref<320x128xf32, #tpu.memory_space<vmem>>, vector<16xf32>,
        %swap3A_82 = arith.index_cast %add3A_67 : i32 to index
        %swap3A_83 = arith.constant 64 : index
        %swap3A_84 = tpu.vector_load %arg10[%swap3A_82, %swap3A_83] {strides = array<i32>} : memref<320x128xf32, #tpu.memory_space<vmem>>, vector<16xf32>,
        tpu.vector_store %arg10[%swap3A_82, %swap3A_83], %scan3A_75#4 {strides = array<i32>} : memref<320x128xf32, #tpu.memory_space<vmem>>, vector<16xf32>,
        %mul3A_85 = arith.constant 6.250000e-02 : f32
        %mul3A_86 = vector.broadcast %mul3A_85 : f32 to vector<16xf32>
        %mul3A_87 = arith.mulf %scan3A_75#1, %mul3A_86 : vector<16xf32>
        %swap3A_88 = arith.index_cast %add3A_67 : i32 to index
        %swap3A_89 = arith.constant 16 : index
        %swap3A_90 = tpu.vector_load %arg10[%swap3A_88, %swap3A_89] {strides = array<i32>} : memref<320x128xf32, #tpu.memory_space<vmem>>, vector<16xf32>,
        tpu.vector_store %arg10[%swap3A_88, %swap3A_89], %mul3A_87 {strides = array<i32>} : memref<320x128xf32, #tpu.memory_space<vmem>>, vector<16xf32>,
        %swap3A_91 = arith.index_cast %add3A_67 : i32 to index
        %swap3A_92 = arith.constant 80 : index
        %swap3A_93 = tpu.vector_load %arg10[%swap3A_91, %swap3A_92] {strides = array<i32>} : memref<320x128xf32, #tpu.memory_space<vmem>>, vector<16xf32>,
        tpu.vector_store %arg10[%swap3A_91, %swap3A_92], %scan3A_75#5 {strides = array<i32>} : memref<320x128xf32, #tpu.memory_space<vmem>>, vector<16xf32>,
        %mul3A_94 = arith.constant 6.250000e-02 : f32
        %mul3A_95 = vector.broadcast %mul3A_94 : f32 to vector<16xf32>
        %mul3A_96 = arith.mulf %scan3A_75#2, %mul3A_95 : vector<16xf32>
        %swap3A_97 = arith.index_cast %add3A_67 : i32 to index
        %swap3A_98 = arith.constant 32 : index
        %swap3A_99 = tpu.vector_load %arg10[%swap3A_97, %swap3A_98] {strides = array<i32>} : memref<320x128xf32, #tpu.memory_space<vmem>>, vector<16xf32>,
        tpu.vector_store %arg10[%swap3A_97, %swap3A_98], %mul3A_96 {strides = array<i32>} : memref<320x128xf32, #tpu.memory_space<vmem>>, vector<16xf32>,
        %swap3A_100 = arith.index_cast %add3A_67 : i32 to index
        %swap3A_101 = arith.constant 96 : index
        %swap3A_102 = tpu.vector_load %arg10[%swap3A_100, %swap3A_101] {strides = array<i32>} : memref<320x128xf32, #tpu.memory_space<vmem>>, vector<16xf32>,
        tpu.vector_store %arg10[%swap3A_100, %swap3A_101], %scan3A_75#6 {strides = array<i32>} : memref<320x128xf32, #tpu.memory_space<vmem>>, vector<16xf32>,
        %mul3A_103 = arith.constant 6.250000e-02 : f32
        %mul3A_104 = vector.broadcast %mul3A_103 : f32 to vector<16xf32>
        %mul3A_105 = arith.mulf %scan3A_75#3, %mul3A_104 : vector<16xf32>
        %swap3A_106 = arith.index_cast %add3A_67 : i32 to index
        %swap3A_107 = arith.constant 48 : index
        %swap3A_108 = tpu.vector_load %arg10[%swap3A_106, %swap3A_107] {strides = array<i32>} : memref<320x128xf32, #tpu.memory_space<vmem>>, vector<16xf32>,
        tpu.vector_store %arg10[%swap3A_106, %swap3A_107], %mul3A_105 {strides = array<i32>} : memref<320x128xf32, #tpu.memory_space<vmem>>, vector<16xf32>,
        %swap3A_109 = arith.index_cast %add3A_67 : i32 to index
        %swap3A_110 = arith.constant 112 : index
        %swap3A_111 = tpu.vector_load %arg10[%swap3A_109, %swap3A_110] {strides = array<i32>} : memref<320x128xf32, #tpu.memory_space<vmem>>, vector<16xf32>,
        tpu.vector_store %arg10[%swap3A_109, %swap3A_110], %scan3A_75#7 {strides = array<i32>} : memref<320x128xf32, #tpu.memory_space<vmem>>, vector<16xf32>,
      }
      %scan3A_41 = arith.constant 8 : i32
      %add3A_42 = arith.constant 1 : i32
      %add3A_43 = arith.addi %mul3A_18, %add3A_42 : i32
      %mul3A_44 = arith.constant 8 : i32
      %mul3A_45 = arith.muli %add3A_43, %mul3A_44 : i32
      %mul3A_46 = arith.constant 16 : i32
      %mul3A_47 = arith.muli %mul3A_45, %mul3A_46 : i32
      %dma_wait3A_48 = tpu.memref_slice %arg6[%mul3A_47] : memref<5120xi32, #tpu.memory_space<vmem>> -> memref<128xi32, #tpu.memory_space<vmem>>
      %dma_wait3A_49 = arith.constant 0 : i32
      %dma_wait3A_50 = arith.constant 0 : i32
      %dma_wait3A_51 = tpu.memref_slice %arg2[%dma_wait3A_49, %dma_wait3A_50] : memref<10240x128xf32, #tpu.memory_space<hbm>> -> memref<10240x128xf32, #tpu.memory_space<hbm>>
      tpu.wait_indirect_dma semaphore(%arg12 : memref<!tpu.dma_semaphore, #tpu.memory_space<semaphore_mem>>) src(%dma_wait3A_51 : memref<10240x128xf32, #tpu.memory_space<hbm>>) dst(%arg9 : memref<128x128xf32, #tpu.memory_space<vmem>>)
      %add3A_52 = arith.constant 1 : i32
      %add3A_53 = arith.addi %scan3A_16, %add3A_52 : i32
      %lt3A = arith.constant 20 : i32
      %lt3A_54 = arith.cmpi slt, %add3A_53, %lt3A : i32
      %convert_element_type3A = arith.extui %lt3A_54 : i1 to i32
      %cond3A = arith.constant 0 : i32
      %cond3A_55 = arith.cmpi ne, %convert_element_type3A, %cond3A : i32
      scf.if %cond3A_55 {
        %add3A_64 = arith.constant 2 : i32
        %add3A_65 = arith.addi %mul3A_18, %add3A_64 : i32
        %mul3A_66 = arith.constant 8 : i32
        %mul3A_67 = arith.muli %add3A_65, %mul3A_66 : i32
        %mul3A_68 = arith.constant 16 : i32
        %mul3A_69 = arith.muli %mul3A_67, %mul3A_68 : i32
        %dma_start3A_70 = tpu.memref_slice %arg6[%mul3A_69] : memref<5120xi32, #tpu.memory_space<vmem>> -> memref<128xi32, #tpu.memory_space<vmem>>
        %dma_start3A_71 = arith.constant 0 : i32
        %dma_start3A_72 = arith.constant 0 : i32
        %dma_start3A_73 = tpu.memref_slice %arg2[%dma_start3A_71, %dma_start3A_72] : memref<10240x128xf32, #tpu.memory_space<hbm>> -> memref<10240x128xf32, #tpu.memory_space<hbm>>
        tpu.enqueue_indirect_dma source(%dma_start3A_73 : memref<10240x128xf32, #tpu.memory_space<hbm>>) target(%arg8 : memref<128x128xf32, #tpu.memory_space<vmem>>) offsets(%dma_start3A_70 : memref<128xi32, #tpu.memory_space<vmem>>) semaphore(%arg11 : memref<!tpu.dma_semaphore, #tpu.memory_space<semaphore_mem>>)
      } else {
      }
      %add3A_56 = arith.constant 1 : i32
      %add3A_57 = arith.addi %mul3A_18, %add3A_56 : i32
      %scan3A_58 = arith.constant 0 : i32
      %scan3A_59 = arith.constant 0 : i32
      %scan3A_60 = arith.constant 8 : i32
      %scan3A_61 = arith.addi %scan3A_59, %scan3A_60 : i32
      %scan3A_62 = arith.constant 1 : i32
      scf.for %scan3A_64 = %scan3A_59 to %scan3A_61 step %scan3A_62  : i32 {
        %mul3A_65 = arith.constant 8 : i32
        %mul3A_66 = arith.muli %add3A_57, %mul3A_65 : i32
        %add3A_67 = arith.addi %mul3A_66, %scan3A_64 : i32
        %broadcast_in_dim3A = arith.constant 0.000000e+00 : f32
        %broadcast_in_dim3A_68 = vector.broadcast %broadcast_in_dim3A : f32 to vector<16xf32>
        %broadcast_in_dim3A_69 = arith.constant 0xFF800000 : f32
        %broadcast_in_dim3A_70 = vector.broadcast %broadcast_in_dim3A_69 : f32 to vector<16xf32>
        %scan3A_71 = arith.constant 0 : i32
        %scan3A_72 = arith.constant 16 : i32
        %scan3A_73 = arith.addi %scan3A_71, %scan3A_72 : i32
        %scan3A_74 = arith.constant 1 : i32
        %scan3A_75:8 = scf.for %scan3A_112 = %scan3A_71 to %scan3A_73 step %scan3A_74 iter_args(%scan3A_113 = %broadcast_in_dim3A_68, %scan3A_114 = %broadcast_in_dim3A_68, %scan3A_115 = %broadcast_in_dim3A_68, %scan3A_116 = %broadcast_in_dim3A_68, %scan3A_117 = %broadcast_in_dim3A_70, %scan3A_118 = %broadcast_in_dim3A_70, %scan3A_119 = %broadcast_in_dim3A_70, %scan3A_120 = %broadcast_in_dim3A_70) -> (vector<16xf32>, vector<16xf32>, vector<16xf32>, vector<16xf32>, vector<16xf32>, vector<16xf32>, vector<16xf32>, vector<16xf32>)  : i32 {
          %mul3A_121 = arith.constant 16 : i32
          %mul3A_122 = arith.muli %add3A_67, %mul3A_121 : i32
          %add3A_123 = arith.addi %mul3A_122, %scan3A_112 : i32
          %broadcast_in_dim3A_124 = vector.broadcast %add3A_123 : i32 to vector<16xi32>
          %gather3A = tpu.vector_load_idx %arg7[%broadcast_in_dim3A_124] : memref<5120xf32, #tpu.memory_space<vmem>>[vector<16xi32>], vector<16xf32>,
          %mul3A_125 = arith.constant 16 : i32
          %mul3A_126 = arith.muli %scan3A_64, %mul3A_125 : i32
          %add3A_127 = arith.addi %mul3A_126, %scan3A_112 : i32
          %get3A = arith.index_cast %add3A_127 : i32 to index
          %get3A_128 = arith.constant 0 : index
          %get3A_129 = tpu.vector_load %arg9[%get3A, %get3A_128] {strides = array<i32>} : memref<128x128xf32, #tpu.memory_space<vmem>>, vector<16xf32>,
          %mul3A_130 = arith.mulf %get3A_129, %gather3A : vector<16xf32>
          %add3A_131 = arith.addf %scan3A_113, %mul3A_130 : vector<16xf32>
          %max3A = arith.maximumf %scan3A_117, %mul3A_130 : vector<16xf32>
          %mul3A_132 = arith.constant 16 : i32
          %mul3A_133 = arith.muli %scan3A_64, %mul3A_132 : i32
          %add3A_134 = arith.addi %mul3A_133, %scan3A_112 : i32
          %get3A_135 = arith.index_cast %add3A_134 : i32 to index
          %get3A_136 = arith.constant 16 : index
          %get3A_137 = tpu.vector_load %arg9[%get3A_135, %get3A_136] {strides = array<i32>} : memref<128x128xf32, #tpu.memory_space<vmem>>, vector<16xf32>,
          %mul3A_138 = arith.mulf %get3A_137, %gather3A : vector<16xf32>
          %add3A_139 = arith.addf %scan3A_114, %mul3A_138 : vector<16xf32>
          %max3A_140 = arith.maximumf %scan3A_118, %mul3A_138 : vector<16xf32>
          %mul3A_141 = arith.constant 16 : i32
          %mul3A_142 = arith.muli %scan3A_64, %mul3A_141 : i32
          %add3A_143 = arith.addi %mul3A_142, %scan3A_112 : i32
          %get3A_144 = arith.index_cast %add3A_143 : i32 to index
          %get3A_145 = arith.constant 32 : index
          %get3A_146 = tpu.vector_load %arg9[%get3A_144, %get3A_145] {strides = array<i32>} : memref<128x128xf32, #tpu.memory_space<vmem>>, vector<16xf32>,
          %mul3A_147 = arith.mulf %get3A_146, %gather3A : vector<16xf32>
          %add3A_148 = arith.addf %scan3A_115, %mul3A_147 : vector<16xf32>
          %max3A_149 = arith.maximumf %scan3A_119, %mul3A_147 : vector<16xf32>
          %mul3A_150 = arith.constant 16 : i32
          %mul3A_151 = arith.muli %scan3A_64, %mul3A_150 : i32
          %add3A_152 = arith.addi %mul3A_151, %scan3A_112 : i32
          %get3A_153 = arith.index_cast %add3A_152 : i32 to index
          %get3A_154 = arith.constant 48 : index
          %get3A_155 = tpu.vector_load %arg9[%get3A_153, %get3A_154] {strides = array<i32>} : memref<128x128xf32, #tpu.memory_space<vmem>>, vector<16xf32>,
          %mul3A_156 = arith.mulf %get3A_155, %gather3A : vector<16xf32>
          %add3A_157 = arith.addf %scan3A_116, %mul3A_156 : vector<16xf32>
          %max3A_158 = arith.maximumf %scan3A_120, %mul3A_156 : vector<16xf32>
          scf.yield %add3A_131, %add3A_139, %add3A_148, %add3A_157, %max3A, %max3A_140, %max3A_149, %max3A_158 : vector<16xf32>, vector<16xf32>, vector<16xf32>, vector<16xf32>, vector<16xf32>, vector<16xf32>, vector<16xf32>, vector<16xf32>
        }
        %scan3A_76 = arith.constant 16 : i32
        %mul3A_77 = arith.constant 6.250000e-02 : f32
        %mul3A_78 = vector.broadcast %mul3A_77 : f32 to vector<16xf32>
        %mul3A_79 = arith.mulf %scan3A_75#0, %mul3A_78 : vector<16xf32>
        %swap3A = arith.index_cast %add3A_67 : i32 to index
        %swap3A_80 = arith.constant 0 : index
        %swap3A_81 = tpu.vector_load %arg10[%swap3A, %swap3A_80] {strides = array<i32>} : memref<320x128xf32, #tpu.memory_space<vmem>>, vector<16xf32>,
        tpu.vector_store %arg10[%swap3A, %swap3A_80], %mul3A_79 {strides = array<i32>} : memref<320x128xf32, #tpu.memory_space<vmem>>, vector<16xf32>,
        %swap3A_82 = arith.index_cast %add3A_67 : i32 to index
        %swap3A_83 = arith.constant 64 : index
        %swap3A_84 = tpu.vector_load %arg10[%swap3A_82, %swap3A_83] {strides = array<i32>} : memref<320x128xf32, #tpu.memory_space<vmem>>, vector<16xf32>,
        tpu.vector_store %arg10[%swap3A_82, %swap3A_83], %scan3A_75#4 {strides = array<i32>} : memref<320x128xf32, #tpu.memory_space<vmem>>, vector<16xf32>,
        %mul3A_85 = arith.constant 6.250000e-02 : f32
        %mul3A_86 = vector.broadcast %mul3A_85 : f32 to vector<16xf32>
        %mul3A_87 = arith.mulf %scan3A_75#1, %mul3A_86 : vector<16xf32>
        %swap3A_88 = arith.index_cast %add3A_67 : i32 to index
        %swap3A_89 = arith.constant 16 : index
        %swap3A_90 = tpu.vector_load %arg10[%swap3A_88, %swap3A_89] {strides = array<i32>} : memref<320x128xf32, #tpu.memory_space<vmem>>, vector<16xf32>,
        tpu.vector_store %arg10[%swap3A_88, %swap3A_89], %mul3A_87 {strides = array<i32>} : memref<320x128xf32, #tpu.memory_space<vmem>>, vector<16xf32>,
        %swap3A_91 = arith.index_cast %add3A_67 : i32 to index
        %swap3A_92 = arith.constant 80 : index
        %swap3A_93 = tpu.vector_load %arg10[%swap3A_91, %swap3A_92] {strides = array<i32>} : memref<320x128xf32, #tpu.memory_space<vmem>>, vector<16xf32>,
        tpu.vector_store %arg10[%swap3A_91, %swap3A_92], %scan3A_75#5 {strides = array<i32>} : memref<320x128xf32, #tpu.memory_space<vmem>>, vector<16xf32>,
        %mul3A_94 = arith.constant 6.250000e-02 : f32
        %mul3A_95 = vector.broadcast %mul3A_94 : f32 to vector<16xf32>
        %mul3A_96 = arith.mulf %scan3A_75#2, %mul3A_95 : vector<16xf32>
        %swap3A_97 = arith.index_cast %add3A_67 : i32 to index
        %swap3A_98 = arith.constant 32 : index
        %swap3A_99 = tpu.vector_load %arg10[%swap3A_97, %swap3A_98] {strides = array<i32>} : memref<320x128xf32, #tpu.memory_space<vmem>>, vector<16xf32>,
        tpu.vector_store %arg10[%swap3A_97, %swap3A_98], %mul3A_96 {strides = array<i32>} : memref<320x128xf32, #tpu.memory_space<vmem>>, vector<16xf32>,
        %swap3A_100 = arith.index_cast %add3A_67 : i32 to index
        %swap3A_101 = arith.constant 96 : index
        %swap3A_102 = tpu.vector_load %arg10[%swap3A_100, %swap3A_101] {strides = array<i32>} : memref<320x128xf32, #tpu.memory_space<vmem>>, vector<16xf32>,
        tpu.vector_store %arg10[%swap3A_100, %swap3A_101], %scan3A_75#6 {strides = array<i32>} : memref<320x128xf32, #tpu.memory_space<vmem>>, vector<16xf32>,
        %mul3A_103 = arith.constant 6.250000e-02 : f32
        %mul3A_104 = vector.broadcast %mul3A_103 : f32 to vector<16xf32>
        %mul3A_105 = arith.mulf %scan3A_75#3, %mul3A_104 : vector<16xf32>
        %swap3A_106 = arith.index_cast %add3A_67 : i32 to index
        %swap3A_107 = arith.constant 48 : index
        %swap3A_108 = tpu.vector_load %arg10[%swap3A_106, %swap3A_107] {strides = array<i32>} : memref<320x128xf32, #tpu.memory_space<vmem>>, vector<16xf32>,
        tpu.vector_store %arg10[%swap3A_106, %swap3A_107], %mul3A_105 {strides = array<i32>} : memref<320x128xf32, #tpu.memory_space<vmem>>, vector<16xf32>,
        %swap3A_109 = arith.index_cast %add3A_67 : i32 to index
        %swap3A_110 = arith.constant 112 : index
        %swap3A_111 = tpu.vector_load %arg10[%swap3A_109, %swap3A_110] {strides = array<i32>} : memref<320x128xf32, #tpu.memory_space<vmem>>, vector<16xf32>,
        tpu.vector_store %arg10[%swap3A_109, %swap3A_110], %scan3A_75#7 {strides = array<i32>} : memref<320x128xf32, #tpu.memory_space<vmem>>, vector<16xf32>,
      }
      %scan3A_63 = arith.constant 8 : i32
    }
    %scan3A_15 = arith.constant 20 : i32
    "tpu.region"() ({
      %run_scoped3A = tpu.sem_alloc : memref<!tpu.dma_semaphore, #tpu.memory_space<semaphore_mem>>
      %dma_start3A_16 = arith.constant 0 : i32
      %dma_start3A_17 = tpu.memref_slice %arg5[%mul3A_2, %dma_start3A_16] : memref<10240x128xf32, #tpu.memory_space<hbm>> -> memref<320x128xf32, #tpu.memory_space<hbm>>
      %dma_start3A_18 = arith.constant 0 : i32
      %dma_start3A_19 = tpu.memref_slice %arg5[%mul3A_2, %dma_start3A_18] : memref<10240x128xf32, #tpu.memory_space<hbm>> -> memref<320x128xf32, #tpu.memory_space<hbm>>
      tpu.enqueue_dma source(%arg10 : memref<320x128xf32, #tpu.memory_space<vmem>>) target(%dma_start3A_19 : memref<320x128xf32, #tpu.memory_space<hbm>>) target_semaphore(%run_scoped3A : memref<!tpu.dma_semaphore, #tpu.memory_space<semaphore_mem>>)
      %dma_wait3A = arith.constant 0 : i32
      %dma_wait3A_20 = tpu.memref_slice %arg5[%mul3A_2, %dma_wait3A] : memref<10240x128xf32, #tpu.memory_space<hbm>> -> memref<320x128xf32, #tpu.memory_space<hbm>>
      %dma_wait3A_21 = arith.constant 0 : i32
      %dma_wait3A_22 = tpu.memref_slice %arg5[%mul3A_2, %dma_wait3A_21] : memref<10240x128xf32, #tpu.memory_space<hbm>> -> memref<320x128xf32, #tpu.memory_space<hbm>>
      tpu.wait_dma2 semaphore(%run_scoped3A : memref<!tpu.dma_semaphore, #tpu.memory_space<semaphore_mem>>) src(%arg10 : memref<320x128xf32, #tpu.memory_space<vmem>>) dst(%dma_wait3A_22 : memref<320x128xf32, #tpu.memory_space<hbm>>)
      tpu.yield
    }) : () -> ()
    return
  }
}

module attributes {stable_mosaic.version = 14 : i64} {
  func.func @_fused_body(%arg0: i32, %arg1: memref<256x128xf32, #tpu.memory_space<vmem>>, %arg2: memref<128x128xf32, #tpu.memory_space<vmem>>, %arg3: memref<1x128xf32, #tpu.memory_space<vmem>>, %arg4: memref<1x128xf32, #tpu.memory_space<vmem>>, %arg5: memref<1x128xf32, #tpu.memory_space<vmem>>, %arg6: memref<128x128xf32, #tpu.memory_space<vmem>>, %arg7: memref<1x128xf32, #tpu.memory_space<vmem>>, %arg8: memref<1x128xf32, #tpu.memory_space<vmem>>, %arg9: memref<1x128xf32, #tpu.memory_space<vmem>>, %arg10: memref<128x128xf32, #tpu.memory_space<vmem>>, %arg11: memref<1x128xf32, #tpu.memory_space<vmem>>, %arg12: memref<128x16xf32, #tpu.memory_space<vmem>>, %arg13: memref<1x16xf32, #tpu.memory_space<vmem>>, %arg14: memref<128x128xf32, #tpu.memory_space<vmem>>, %arg15: memref<1x128xf32, #tpu.memory_space<vmem>>, %arg16: memref<1x10240xi32, #tpu.memory_space<vmem>>, %arg17: memref<10240x1xi32, #tpu.memory_space<vmem>>, %arg18: memref<256x128xf32, #tpu.memory_space<vmem>>, %arg19: memref<256x128xf32, #tpu.memory_space<vmem>>, %arg20: memref<16x256xi32, #tpu.memory_space<vmem>>, %arg21: memref<16x256xf32, #tpu.memory_space<vmem>>, %arg22: memref<10240x128xf32, #tpu.memory_space<vmem>>, %arg23: memref<10240x128xf32, #tpu.memory_space<vmem>>, %arg24: memref<10240x16xf32, #tpu.memory_space<vmem>>, %arg25: memref<8x128xf32, #tpu.memory_space<vmem>>, %arg26: memref<8x128xf32, #tpu.memory_space<vmem>>, %arg27: memref<16x256xi32, #tpu.memory_space<vmem>>) attributes {dimension_semantics = [#tpu.dimension_semantics<arbitrary>], iteration_bounds = array<i64: 160>, scalar_prefetch = 0 : i64, scratch_operands = 6 : i64, tpu.core_type = #tpu.core_type<tc>, window_params = [{transform_indices = @transform_0, window_bounds = array<i64: 256, 128>}, {pipeline_mode = #tpu.pipeline_mode<synchronous>, transform_indices = @transform_1, window_bounds = array<i64: 128, 128>}, {pipeline_mode = #tpu.pipeline_mode<synchronous>, transform_indices = @transform_2, window_bounds = array<i64: 1, 128>}, {pipeline_mode = #tpu.pipeline_mode<synchronous>, transform_indices = @transform_3, window_bounds = array<i64: 1, 128>}, {pipeline_mode = #tpu.pipeline_mode<synchronous>, transform_indices = @transform_4, window_bounds = array<i64: 1, 128>}, {pipeline_mode = #tpu.pipeline_mode<synchronous>, transform_indices = @transform_5, window_bounds = array<i64: 128, 128>}, {pipeline_mode = #tpu.pipeline_mode<synchronous>, transform_indices = @transform_6, window_bounds = array<i64: 1, 128>}, {pipeline_mode = #tpu.pipeline_mode<synchronous>, transform_indices = @transform_7, window_bounds = array<i64: 1, 128>}, {pipeline_mode = #tpu.pipeline_mode<synchronous>, transform_indices = @transform_8, window_bounds = array<i64: 1, 128>}, {pipeline_mode = #tpu.pipeline_mode<synchronous>, transform_indices = @transform_9, window_bounds = array<i64: 128, 128>}, {pipeline_mode = #tpu.pipeline_mode<synchronous>, transform_indices = @transform_10, window_bounds = array<i64: 1, 128>}, {pipeline_mode = #tpu.pipeline_mode<synchronous>, transform_indices = @transform_11, window_bounds = array<i64: 128, 16>}, {pipeline_mode = #tpu.pipeline_mode<synchronous>, transform_indices = @transform_12, window_bounds = array<i64: 1, 16>}, {pipeline_mode = #tpu.pipeline_mode<synchronous>, transform_indices = @transform_13, window_bounds = array<i64: 128, 128>}, {pipeline_mode = #tpu.pipeline_mode<synchronous>, transform_indices = @transform_14, window_bounds = array<i64: 1, 128>}, {pipeline_mode = #tpu.pipeline_mode<synchronous>, transform_indices = @transform_15, window_bounds = array<i64: 1, 10240>}, {pipeline_mode = #tpu.pipeline_mode<synchronous>, transform_indices = @transform_16, window_bounds = array<i64: 10240, 1>}, {transform_indices = @transform_17, window_bounds = array<i64: 256, 128>}, {transform_indices = @transform_18, window_bounds = array<i64: 256, 128>}, {transform_indices = @transform_19, window_bounds = array<i64: 16, 256>}, {transform_indices = @transform_20, window_bounds = array<i64: 16, 256>}]} {
    %lt3A = arith.constant 40 : i32
    %lt3A_0 = arith.cmpi slt, %arg0, %lt3A : i32
    %convert_element_type3A = arith.extui %lt3A_0 : i1 to i32
    %cond3A = arith.constant 0 : i32
    %cond3A_1 = arith.cmpi ne, %convert_element_type3A, %cond3A : i32
    scf.if %cond3A_1 {
      %get3A = arith.constant 0 : index
      %get3A_23 = arith.constant 0 : index
      %get3A_24 = vector.load %arg1[%get3A, %get3A_23] : memref<256x128xf32, #tpu.memory_space<vmem>>, vector<256x128xf32>
      %get3A_25 = arith.constant 0 : index
      %get3A_26 = arith.constant 0 : index
      %get3A_27 = vector.load %arg2[%get3A_25, %get3A_26] : memref<128x128xf32, #tpu.memory_space<vmem>>, vector<128x128xf32>
      %dot_general3A = arith.constant dense<0.000000e+00> : vector<256x128xf32>
      %dot_general3A_28 = tpu.matmul %get3A_24, %get3A_27, %dot_general3A {dimension_numbers = #tpu.dot_dimension_numbers<[1], [0], [0], [1], [0, 0, 1, 1], [], []>, transpose_lhs_hint = false} : vector<256x128xf32>, vector<128x128xf32>, vector<256x128xf32> -> vector<256x128xf32>
      %get3A_29 = arith.constant 0 : index
      %get3A_30 = arith.constant 0 : index
      %get3A_31 = vector.load %arg3[%get3A_29, %get3A_30] : memref<1x128xf32, #tpu.memory_space<vmem>>, vector<1x128xf32>
      %add3A = vector.broadcast %get3A_31 : vector<1x128xf32> to vector<256x128xf32>
      %add3A_32 = arith.addf %dot_general3A_28, %add3A : vector<256x128xf32>
      %max3A = arith.constant 0.000000e+00 : f32
      %max3A_33 = vector.broadcast %max3A : f32 to vector<256x128xf32>
      %max3A_34 = arith.maximumf %add3A_32, %max3A_33 : vector<256x128xf32>
      %mul3A = arith.constant 256 : i32
      %mul3A_35 = arith.muli %arg0, %mul3A : i32
      %swap3A = arith.index_cast %mul3A_35 : i32 to index
      %swap3A_36 = arith.constant 0 : index
      %swap3A_37 = vector.load %arg22[%swap3A, %swap3A_36] : memref<10240x128xf32, #tpu.memory_space<vmem>>, vector<256x128xf32>
      tpu.vector_store %arg22[%swap3A, %swap3A_36], %max3A_34 {strides = array<i32>} : memref<10240x128xf32, #tpu.memory_space<vmem>>, vector<256x128xf32>,
      %mul3A_38 = arith.constant 256 : i32
      %mul3A_39 = arith.muli %arg0, %mul3A_38 : i32
      %iota3A = tpu.iota {dimensions = array<i32: 0>} : vector<256x128xi32>
      %add3A_40 = vector.broadcast %mul3A_39 : i32 to vector<256x128xi32>
      %add3A_41 = arith.addi %add3A_40, %iota3A : vector<256x128xi32>
      %lt3A_42 = arith.constant 10000 : i32
      %lt3A_43 = vector.broadcast %lt3A_42 : i32 to vector<256x128xi32>
      %lt3A_44 = arith.cmpi slt, %add3A_41, %lt3A_43 : vector<256x128xi32>
      %jit3A = arith.constant 0.000000e+00 : f32
      %broadcast_in_dim3A = vector.broadcast %jit3A : f32 to vector<256x128xf32>
      %select_n3A = arith.select %lt3A_44, %max3A_34, %broadcast_in_dim3A : vector<256x128xi1>, vector<256x128xf32>
      %reduce_sum3A = arith.constant dense<0.000000e+00> : vector<128xf32>
      %reduce_sum3A_45 = vector.multi_reduction <add>, %select_n3A, %reduce_sum3A [0] : vector<256x128xf32> to vector<128xf32>
      %mul3A_46 = arith.mulf %select_n3A, %select_n3A : vector<256x128xf32>
      %reduce_sum3A_47 = arith.constant dense<0.000000e+00> : vector<128xf32>
      %reduce_sum3A_48 = vector.multi_reduction <add>, %mul3A_46, %reduce_sum3A_47 [0] : vector<256x128xf32> to vector<128xf32>
      %iota3A_49 = tpu.iota {dimensions = array<i32: 0>} : vector<8x128xi32>
      %eq3A = arith.constant 0 : i32
      %eq3A_50 = vector.broadcast %eq3A : i32 to vector<8x128xi32>
      %eq3A_51 = arith.cmpi eq, %iota3A_49, %eq3A_50 : vector<8x128xi32>
      %broadcast_in_dim3A_52 = vector.shape_cast %reduce_sum3A_45 : vector<128xf32> to vector<1x128xf32>
      %jit3A_53 = arith.constant 0.000000e+00 : f32
      %broadcast_in_dim3A_54 = vector.shape_cast %broadcast_in_dim3A_52 : vector<1x128xf32> to vector<1x128xf32>
      %broadcast_in_dim3A_55 = vector.broadcast %broadcast_in_dim3A_54 : vector<1x128xf32> to vector<8x128xf32>
      %broadcast_in_dim3A_56 = vector.broadcast %jit3A_53 : f32 to vector<8x128xf32>
      %select_n3A_57 = arith.select %eq3A_51, %broadcast_in_dim3A_55, %broadcast_in_dim3A_56 : vector<8x128xi1>, vector<8x128xf32>
      %eq3A_58 = arith.constant 1 : i32
      %eq3A_59 = vector.broadcast %eq3A_58 : i32 to vector<8x128xi32>
      %eq3A_60 = arith.cmpi eq, %iota3A_49, %eq3A_59 : vector<8x128xi32>
      %broadcast_in_dim3A_61 = vector.shape_cast %reduce_sum3A_48 : vector<128xf32> to vector<1x128xf32>
      %jit3A_62 = arith.constant 0.000000e+00 : f32
      %broadcast_in_dim3A_63 = vector.shape_cast %broadcast_in_dim3A_61 : vector<1x128xf32> to vector<1x128xf32>
      %broadcast_in_dim3A_64 = vector.broadcast %broadcast_in_dim3A_63 : vector<1x128xf32> to vector<8x128xf32>
      %broadcast_in_dim3A_65 = vector.broadcast %jit3A_62 : f32 to vector<8x128xf32>
      %select_n3A_66 = arith.select %eq3A_60, %broadcast_in_dim3A_64, %broadcast_in_dim3A_65 : vector<8x128xi1>, vector<8x128xf32>
      %add3A_67 = arith.addf %select_n3A_57, %select_n3A_66 : vector<8x128xf32>
      %eq3A_68 = arith.constant 0 : i32
      %eq3A_69 = arith.cmpi eq, %arg0, %eq3A_68 : i32
      %convert_element_type3A_70 = arith.extui %eq3A_69 : i1 to i32
      %cond3A_71 = arith.constant 0 : i32
      %cond3A_72 = arith.cmpi ne, %convert_element_type3A_70, %cond3A_71 : i32
      scf.if %cond3A_72 {
        %swap3A_77 = arith.constant 0 : index
        %swap3A_78 = arith.constant 0 : index
        %swap3A_79 = vector.load %arg25[%swap3A_77, %swap3A_78] : memref<8x128xf32, #tpu.memory_space<vmem>>, vector<8x128xf32>
        tpu.vector_store %arg25[%swap3A_77, %swap3A_78], %add3A_67 {strides = array<i32>} : memref<8x128xf32, #tpu.memory_space<vmem>>, vector<8x128xf32>,
      } else {
      }
      %gt3A = arith.constant 0 : i32
      %gt3A_73 = arith.cmpi sgt, %arg0, %gt3A : i32
      %convert_element_type3A_74 = arith.extui %gt3A_73 : i1 to i32
      %cond3A_75 = arith.constant 0 : i32
      %cond3A_76 = arith.cmpi ne, %convert_element_type3A_74, %cond3A_75 : i32
      scf.if %cond3A_76 {
        %get3A_77 = arith.constant 0 : index
        %get3A_78 = arith.constant 0 : index
        %get3A_79 = vector.load %arg25[%get3A_77, %get3A_78] : memref<8x128xf32, #tpu.memory_space<vmem>>, vector<8x128xf32>
        %add3A_80 = arith.addf %get3A_79, %add3A_67 : vector<8x128xf32>
        %swap3A_81 = arith.constant 0 : index
        %swap3A_82 = arith.constant 0 : index
        %swap3A_83 = vector.load %arg25[%swap3A_81, %swap3A_82] : memref<8x128xf32, #tpu.memory_space<vmem>>, vector<8x128xf32>
        tpu.vector_store %arg25[%swap3A_81, %swap3A_82], %add3A_80 {strides = array<i32>} : memref<8x128xf32, #tpu.memory_space<vmem>>, vector<8x128xf32>,
      } else {
      }
    } else {
    }
    %ge3A = arith.constant 40 : i32
    %ge3A_2 = arith.cmpi sge, %arg0, %ge3A : i32
    %lt3A_3 = arith.constant 80 : i32
    %lt3A_4 = arith.cmpi slt, %arg0, %lt3A_3 : i32
    %and3A = arith.andi %ge3A_2, %lt3A_4 : i1
    %convert_element_type3A_5 = arith.extui %and3A : i1 to i32
    %cond3A_6 = arith.constant 9.99999974E-5 : f32
    %cond3A_7 = arith.constant 0 : i32
    %cond3A_8 = arith.cmpi ne, %convert_element_type3A_5, %cond3A_7 : i32
    scf.if %cond3A_8 {
      %sub3A = arith.constant 40 : i32
      %sub3A_23 = arith.subi %arg0, %sub3A : i32
      %get3A = arith.constant 0 : index
      %get3A_24 = arith.constant 0 : index
      %get3A_25 = vector.load %arg25[%get3A, %get3A_24] : memref<8x128xf32, #tpu.memory_space<vmem>>, vector<8x128xf32>
      %slice3A = vector.extract_strided_slice %get3A_25 {offsets = [0, 0], sizes = [1, 128], strides = [1, 1]} : vector<8x128xf32> to vector<1x128xf32>
      %mul3A = vector.broadcast %cond3A_6 : f32 to vector<1x128xf32>
      %mul3A_26 = arith.mulf %slice3A, %mul3A : vector<1x128xf32>
      %slice3A_27 = vector.extract_strided_slice %get3A_25 {offsets = [1, 0], sizes = [1, 128], strides = [1, 1]} : vector<8x128xf32> to vector<1x128xf32>
      %mul3A_28 = vector.broadcast %cond3A_6 : f32 to vector<1x128xf32>
      %mul3A_29 = arith.mulf %slice3A_27, %mul3A_28 : vector<1x128xf32>
      %mul3A_30 = arith.mulf %mul3A_26, %mul3A_26 : vector<1x128xf32>
      %sub3A_31 = arith.subf %mul3A_29, %mul3A_30 : vector<1x128xf32>
      %get3A_32 = arith.constant 0 : index
      %get3A_33 = arith.constant 0 : index
      %get3A_34 = vector.load %arg4[%get3A_32, %get3A_33] : memref<1x128xf32, #tpu.memory_space<vmem>>, vector<1x128xf32>
      %add3A = arith.constant 9.99999974E-6 : f32
      %add3A_35 = vector.broadcast %add3A : f32 to vector<1x128xf32>
      %add3A_36 = arith.addf %sub3A_31, %add3A_35 : vector<1x128xf32>
      %rsqrt3A = math.rsqrt %add3A_36 : vector<1x128xf32>
      %mul3A_37 = arith.mulf %get3A_34, %rsqrt3A : vector<1x128xf32>
      %get3A_38 = arith.constant 0 : index
      %get3A_39 = arith.constant 0 : index
      %get3A_40 = vector.load %arg5[%get3A_38, %get3A_39] : memref<1x128xf32, #tpu.memory_space<vmem>>, vector<1x128xf32>
      %mul3A_41 = arith.mulf %mul3A_26, %mul3A_37 : vector<1x128xf32>
      %sub3A_42 = arith.subf %get3A_40, %mul3A_41 : vector<1x128xf32>
      %mul3A_43 = arith.constant 256 : i32
      %mul3A_44 = arith.muli %sub3A_23, %mul3A_43 : i32
      %get3A_45 = arith.index_cast %mul3A_44 : i32 to index
      %get3A_46 = arith.constant 0 : index
      %get3A_47 = vector.load %arg22[%get3A_45, %get3A_46] : memref<10240x128xf32, #tpu.memory_space<vmem>>, vector<256x128xf32>
      %mul3A_48 = vector.broadcast %mul3A_37 : vector<1x128xf32> to vector<256x128xf32>
      %mul3A_49 = arith.mulf %get3A_47, %mul3A_48 : vector<256x128xf32>
      %add3A_50 = vector.broadcast %sub3A_42 : vector<1x128xf32> to vector<256x128xf32>
      %add3A_51 = arith.addf %mul3A_49, %add3A_50 : vector<256x128xf32>
      %get3A_52 = arith.constant 0 : index
      %get3A_53 = arith.constant 0 : index
      %get3A_54 = vector.load %arg6[%get3A_52, %get3A_53] : memref<128x128xf32, #tpu.memory_space<vmem>>, vector<128x128xf32>
      %dot_general3A = arith.constant dense<0.000000e+00> : vector<256x128xf32>
      %dot_general3A_55 = tpu.matmul %add3A_51, %get3A_54, %dot_general3A {dimension_numbers = #tpu.dot_dimension_numbers<[1], [0], [0], [1], [0, 0, 1, 1], [], []>, transpose_lhs_hint = false} : vector<256x128xf32>, vector<128x128xf32>, vector<256x128xf32> -> vector<256x128xf32>
      %get3A_56 = arith.constant 0 : index
      %get3A_57 = arith.constant 0 : index
      %get3A_58 = vector.load %arg7[%get3A_56, %get3A_57] : memref<1x128xf32, #tpu.memory_space<vmem>>, vector<1x128xf32>
      %add3A_59 = vector.broadcast %get3A_58 : vector<1x128xf32> to vector<256x128xf32>
      %add3A_60 = arith.addf %dot_general3A_55, %add3A_59 : vector<256x128xf32>
      %max3A = arith.constant 0.000000e+00 : f32
      %max3A_61 = vector.broadcast %max3A : f32 to vector<256x128xf32>
      %max3A_62 = arith.maximumf %add3A_60, %max3A_61 : vector<256x128xf32>
      %mul3A_63 = arith.constant 256 : i32
      %mul3A_64 = arith.muli %sub3A_23, %mul3A_63 : i32
      %swap3A = arith.index_cast %mul3A_64 : i32 to index
      %swap3A_65 = arith.constant 0 : index
      %swap3A_66 = vector.load %arg23[%swap3A, %swap3A_65] : memref<10240x128xf32, #tpu.memory_space<vmem>>, vector<256x128xf32>
      tpu.vector_store %arg23[%swap3A, %swap3A_65], %max3A_62 {strides = array<i32>} : memref<10240x128xf32, #tpu.memory_space<vmem>>, vector<256x128xf32>,
      %mul3A_67 = arith.constant 256 : i32
      %mul3A_68 = arith.muli %sub3A_23, %mul3A_67 : i32
      %iota3A = tpu.iota {dimensions = array<i32: 0>} : vector<256x128xi32>
      %add3A_69 = vector.broadcast %mul3A_68 : i32 to vector<256x128xi32>
      %add3A_70 = arith.addi %add3A_69, %iota3A : vector<256x128xi32>
      %lt3A_71 = arith.constant 10000 : i32
      %lt3A_72 = vector.broadcast %lt3A_71 : i32 to vector<256x128xi32>
      %lt3A_73 = arith.cmpi slt, %add3A_70, %lt3A_72 : vector<256x128xi32>
      %jit3A = arith.constant 0.000000e+00 : f32
      %broadcast_in_dim3A = vector.broadcast %jit3A : f32 to vector<256x128xf32>
      %select_n3A = arith.select %lt3A_73, %max3A_62, %broadcast_in_dim3A : vector<256x128xi1>, vector<256x128xf32>
      %reduce_sum3A = arith.constant dense<0.000000e+00> : vector<128xf32>
      %reduce_sum3A_74 = vector.multi_reduction <add>, %select_n3A, %reduce_sum3A [0] : vector<256x128xf32> to vector<128xf32>
      %mul3A_75 = arith.mulf %select_n3A, %select_n3A : vector<256x128xf32>
      %reduce_sum3A_76 = arith.constant dense<0.000000e+00> : vector<128xf32>
      %reduce_sum3A_77 = vector.multi_reduction <add>, %mul3A_75, %reduce_sum3A_76 [0] : vector<256x128xf32> to vector<128xf32>
      %iota3A_78 = tpu.iota {dimensions = array<i32: 0>} : vector<8x128xi32>
      %eq3A = arith.constant 0 : i32
      %eq3A_79 = vector.broadcast %eq3A : i32 to vector<8x128xi32>
      %eq3A_80 = arith.cmpi eq, %iota3A_78, %eq3A_79 : vector<8x128xi32>
      %broadcast_in_dim3A_81 = vector.shape_cast %reduce_sum3A_74 : vector<128xf32> to vector<1x128xf32>
      %jit3A_82 = arith.constant 0.000000e+00 : f32
      %broadcast_in_dim3A_83 = vector.shape_cast %broadcast_in_dim3A_81 : vector<1x128xf32> to vector<1x128xf32>
      %broadcast_in_dim3A_84 = vector.broadcast %broadcast_in_dim3A_83 : vector<1x128xf32> to vector<8x128xf32>
      %broadcast_in_dim3A_85 = vector.broadcast %jit3A_82 : f32 to vector<8x128xf32>
      %select_n3A_86 = arith.select %eq3A_80, %broadcast_in_dim3A_84, %broadcast_in_dim3A_85 : vector<8x128xi1>, vector<8x128xf32>
      %eq3A_87 = arith.constant 1 : i32
      %eq3A_88 = vector.broadcast %eq3A_87 : i32 to vector<8x128xi32>
      %eq3A_89 = arith.cmpi eq, %iota3A_78, %eq3A_88 : vector<8x128xi32>
      %broadcast_in_dim3A_90 = vector.shape_cast %reduce_sum3A_77 : vector<128xf32> to vector<1x128xf32>
      %jit3A_91 = arith.constant 0.000000e+00 : f32
      %broadcast_in_dim3A_92 = vector.shape_cast %broadcast_in_dim3A_90 : vector<1x128xf32> to vector<1x128xf32>
      %broadcast_in_dim3A_93 = vector.broadcast %broadcast_in_dim3A_92 : vector<1x128xf32> to vector<8x128xf32>
      %broadcast_in_dim3A_94 = vector.broadcast %jit3A_91 : f32 to vector<8x128xf32>
      %select_n3A_95 = arith.select %eq3A_89, %broadcast_in_dim3A_93, %broadcast_in_dim3A_94 : vector<8x128xi1>, vector<8x128xf32>
      %add3A_96 = arith.addf %select_n3A_86, %select_n3A_95 : vector<8x128xf32>
      %eq3A_97 = arith.constant 0 : i32
      %eq3A_98 = arith.cmpi eq, %sub3A_23, %eq3A_97 : i32
      %convert_element_type3A_99 = arith.extui %eq3A_98 : i1 to i32
      %cond3A_100 = arith.constant 0 : i32
      %cond3A_101 = arith.cmpi ne, %convert_element_type3A_99, %cond3A_100 : i32
      scf.if %cond3A_101 {
        %swap3A_106 = arith.constant 0 : index
        %swap3A_107 = arith.constant 0 : index
        %swap3A_108 = vector.load %arg26[%swap3A_106, %swap3A_107] : memref<8x128xf32, #tpu.memory_space<vmem>>, vector<8x128xf32>
        tpu.vector_store %arg26[%swap3A_106, %swap3A_107], %add3A_96 {strides = array<i32>} : memref<8x128xf32, #tpu.memory_space<vmem>>, vector<8x128xf32>,
      } else {
      }
      %gt3A = arith.constant 0 : i32
      %gt3A_102 = arith.cmpi sgt, %sub3A_23, %gt3A : i32
      %convert_element_type3A_103 = arith.extui %gt3A_102 : i1 to i32
      %cond3A_104 = arith.constant 0 : i32
      %cond3A_105 = arith.cmpi ne, %convert_element_type3A_103, %cond3A_104 : i32
      scf.if %cond3A_105 {
        %get3A_106 = arith.constant 0 : index
        %get3A_107 = arith.constant 0 : index
        %get3A_108 = vector.load %arg26[%get3A_106, %get3A_107] : memref<8x128xf32, #tpu.memory_space<vmem>>, vector<8x128xf32>
        %add3A_109 = arith.addf %get3A_108, %add3A_96 : vector<8x128xf32>
        %swap3A_110 = arith.constant 0 : index
        %swap3A_111 = arith.constant 0 : index
        %swap3A_112 = vector.load %arg26[%swap3A_110, %swap3A_111] : memref<8x128xf32, #tpu.memory_space<vmem>>, vector<8x128xf32>
        tpu.vector_store %arg26[%swap3A_110, %swap3A_111], %add3A_109 {strides = array<i32>} : memref<8x128xf32, #tpu.memory_space<vmem>>, vector<8x128xf32>,
      } else {
      }
    } else {
    }
    %ge3A_9 = arith.constant 80 : i32
    %ge3A_10 = arith.cmpi sge, %arg0, %ge3A_9 : i32
    %lt3A_11 = arith.constant 120 : i32
    %lt3A_12 = arith.cmpi slt, %arg0, %lt3A_11 : i32
    %and3A_13 = arith.andi %ge3A_10, %lt3A_12 : i1
    %convert_element_type3A_14 = arith.extui %and3A_13 : i1 to i32
    %cond3A_15 = arith.constant 9.99999974E-5 : f32
    %cond3A_16 = arith.constant 0 : i32
    %cond3A_17 = arith.cmpi ne, %convert_element_type3A_14, %cond3A_16 : i32
    scf.if %cond3A_17 {
      %sub3A = arith.constant 80 : i32
      %sub3A_23 = arith.subi %arg0, %sub3A : i32
      %get3A = arith.constant 0 : index
      %get3A_24 = arith.constant 0 : index
      %get3A_25 = vector.load %arg26[%get3A, %get3A_24] : memref<8x128xf32, #tpu.memory_space<vmem>>, vector<8x128xf32>
      %slice3A = vector.extract_strided_slice %get3A_25 {offsets = [0, 0], sizes = [1, 128], strides = [1, 1]} : vector<8x128xf32> to vector<1x128xf32>
      %mul3A = vector.broadcast %cond3A_15 : f32 to vector<1x128xf32>
      %mul3A_26 = arith.mulf %slice3A, %mul3A : vector<1x128xf32>
      %slice3A_27 = vector.extract_strided_slice %get3A_25 {offsets = [1, 0], sizes = [1, 128], strides = [1, 1]} : vector<8x128xf32> to vector<1x128xf32>
      %mul3A_28 = vector.broadcast %cond3A_15 : f32 to vector<1x128xf32>
      %mul3A_29 = arith.mulf %slice3A_27, %mul3A_28 : vector<1x128xf32>
      %mul3A_30 = arith.mulf %mul3A_26, %mul3A_26 : vector<1x128xf32>
      %sub3A_31 = arith.subf %mul3A_29, %mul3A_30 : vector<1x128xf32>
      %get3A_32 = arith.constant 0 : index
      %get3A_33 = arith.constant 0 : index
      %get3A_34 = vector.load %arg8[%get3A_32, %get3A_33] : memref<1x128xf32, #tpu.memory_space<vmem>>, vector<1x128xf32>
      %add3A = arith.constant 9.99999974E-6 : f32
      %add3A_35 = vector.broadcast %add3A : f32 to vector<1x128xf32>
      %add3A_36 = arith.addf %sub3A_31, %add3A_35 : vector<1x128xf32>
      %rsqrt3A = math.rsqrt %add3A_36 : vector<1x128xf32>
      %mul3A_37 = arith.mulf %get3A_34, %rsqrt3A : vector<1x128xf32>
      %get3A_38 = arith.constant 0 : index
      %get3A_39 = arith.constant 0 : index
      %get3A_40 = vector.load %arg9[%get3A_38, %get3A_39] : memref<1x128xf32, #tpu.memory_space<vmem>>, vector<1x128xf32>
      %mul3A_41 = arith.mulf %mul3A_26, %mul3A_37 : vector<1x128xf32>
      %sub3A_42 = arith.subf %get3A_40, %mul3A_41 : vector<1x128xf32>
      %mul3A_43 = arith.constant 256 : i32
      %mul3A_44 = arith.muli %sub3A_23, %mul3A_43 : i32
      %get3A_45 = arith.index_cast %mul3A_44 : i32 to index
      %get3A_46 = arith.constant 0 : index
      %get3A_47 = vector.load %arg23[%get3A_45, %get3A_46] : memref<10240x128xf32, #tpu.memory_space<vmem>>, vector<256x128xf32>
      %mul3A_48 = vector.broadcast %mul3A_37 : vector<1x128xf32> to vector<256x128xf32>
      %mul3A_49 = arith.mulf %get3A_47, %mul3A_48 : vector<256x128xf32>
      %add3A_50 = vector.broadcast %sub3A_42 : vector<1x128xf32> to vector<256x128xf32>
      %add3A_51 = arith.addf %mul3A_49, %add3A_50 : vector<256x128xf32>
      %get3A_52 = arith.constant 0 : index
      %get3A_53 = arith.constant 0 : index
      %get3A_54 = vector.load %arg10[%get3A_52, %get3A_53] : memref<128x128xf32, #tpu.memory_space<vmem>>, vector<128x128xf32>
      %dot_general3A = arith.constant dense<0.000000e+00> : vector<256x128xf32>
      %dot_general3A_55 = tpu.matmul %add3A_51, %get3A_54, %dot_general3A {dimension_numbers = #tpu.dot_dimension_numbers<[1], [0], [0], [1], [0, 0, 1, 1], [], []>, transpose_lhs_hint = false} : vector<256x128xf32>, vector<128x128xf32>, vector<256x128xf32> -> vector<256x128xf32>
      %get3A_56 = arith.constant 0 : index
      %get3A_57 = arith.constant 0 : index
      %get3A_58 = vector.load %arg11[%get3A_56, %get3A_57] : memref<1x128xf32, #tpu.memory_space<vmem>>, vector<1x128xf32>
      %add3A_59 = vector.broadcast %get3A_58 : vector<1x128xf32> to vector<256x128xf32>
      %add3A_60 = arith.addf %dot_general3A_55, %add3A_59 : vector<256x128xf32>
      %swap3A = arith.constant 0 : index
      %swap3A_61 = arith.constant 0 : index
      %swap3A_62 = vector.load %arg18[%swap3A, %swap3A_61] : memref<256x128xf32, #tpu.memory_space<vmem>>, vector<256x128xf32>
      tpu.vector_store %arg18[%swap3A, %swap3A_61], %add3A_60 {strides = array<i32>} : memref<256x128xf32, #tpu.memory_space<vmem>>, vector<256x128xf32>,
      %get3A_63 = arith.constant 0 : index
      %get3A_64 = arith.constant 0 : index
      %get3A_65 = vector.load %arg12[%get3A_63, %get3A_64] : memref<128x16xf32, #tpu.memory_space<vmem>>, vector<128x16xf32>
      %dot_general3A_66 = arith.constant dense<0.000000e+00> : vector<256x16xf32>
      %dot_general3A_67 = tpu.matmul %add3A_60, %get3A_65, %dot_general3A_66 {dimension_numbers = #tpu.dot_dimension_numbers<[1], [0], [0], [1], [0, 0, 1, 1], [], []>, transpose_lhs_hint = false} : vector<256x128xf32>, vector<128x16xf32>, vector<256x16xf32> -> vector<256x16xf32>
      %get3A_68 = arith.constant 0 : index
      %get3A_69 = arith.constant 0 : index
      %get3A_70 = vector.load %arg13[%get3A_68, %get3A_69] : memref<1x16xf32, #tpu.memory_space<vmem>>, vector<1x16xf32>
      %add3A_71 = vector.broadcast %get3A_70 : vector<1x16xf32> to vector<256x16xf32>
      %add3A_72 = arith.addf %dot_general3A_67, %add3A_71 : vector<256x16xf32>
      %mul3A_73 = arith.constant 256 : i32
      %mul3A_74 = arith.muli %sub3A_23, %mul3A_73 : i32
      %swap3A_75 = arith.index_cast %mul3A_74 : i32 to index
      %swap3A_76 = arith.constant 0 : index
      %swap3A_77 = vector.load %arg24[%swap3A_75, %swap3A_76] : memref<10240x16xf32, #tpu.memory_space<vmem>>, vector<256x16xf32>
      tpu.vector_store %arg24[%swap3A_75, %swap3A_76], %add3A_72 {strides = array<i32>} : memref<10240x16xf32, #tpu.memory_space<vmem>>, vector<256x16xf32>,
      %get3A_78 = arith.constant 0 : index
      %get3A_79 = arith.constant 0 : index
      %get3A_80 = vector.load %arg14[%get3A_78, %get3A_79] : memref<128x128xf32, #tpu.memory_space<vmem>>, vector<128x128xf32>
      %dot_general3A_81 = arith.constant dense<0.000000e+00> : vector<256x128xf32>
      %dot_general3A_82 = tpu.matmul %add3A_60, %get3A_80, %dot_general3A_81 {dimension_numbers = #tpu.dot_dimension_numbers<[1], [0], [0], [1], [0, 0, 1, 1], [], []>, transpose_lhs_hint = false} : vector<256x128xf32>, vector<128x128xf32>, vector<256x128xf32> -> vector<256x128xf32>
      %get3A_83 = arith.constant 0 : index
      %get3A_84 = arith.constant 0 : index
      %get3A_85 = vector.load %arg15[%get3A_83, %get3A_84] : memref<1x128xf32, #tpu.memory_space<vmem>>, vector<1x128xf32>
      %add3A_86 = vector.broadcast %get3A_85 : vector<1x128xf32> to vector<256x128xf32>
      %add3A_87 = arith.addf %dot_general3A_82, %add3A_86 : vector<256x128xf32>
      %swap3A_88 = arith.constant 0 : index
      %swap3A_89 = arith.constant 0 : index
      %swap3A_90 = vector.load %arg19[%swap3A_88, %swap3A_89] : memref<256x128xf32, #tpu.memory_space<vmem>>, vector<256x128xf32>
      tpu.vector_store %arg19[%swap3A_88, %swap3A_89], %add3A_87 {strides = array<i32>} : memref<256x128xf32, #tpu.memory_space<vmem>>, vector<256x128xf32>,
    } else {
    }
    %ge3A_18 = arith.constant 120 : i32
    %ge3A_19 = arith.cmpi sge, %arg0, %ge3A_18 : i32
    %convert_element_type3A_20 = arith.extui %ge3A_19 : i1 to i32
    %cond3A_21 = arith.constant 0 : i32
    %cond3A_22 = arith.cmpi ne, %convert_element_type3A_20, %cond3A_21 : i32
    scf.if %cond3A_22 {
      %sub3A = arith.constant 120 : i32
      %sub3A_23 = arith.subi %arg0, %sub3A : i32
      %broadcast_in_dim3A = arith.constant -1900675072 : i32
      %broadcast_in_dim3A_24 = vector.broadcast %broadcast_in_dim3A : i32 to vector<16x256xi32>
      %swap3A = arith.constant 0 : index
      %swap3A_25 = arith.constant 0 : index
      %swap3A_26 = vector.load %arg27[%swap3A, %swap3A_25] : memref<16x256xi32, #tpu.memory_space<vmem>>, vector<16x256xi32>
      tpu.vector_store %arg27[%swap3A, %swap3A_25], %broadcast_in_dim3A_24 {strides = array<i32>} : memref<16x256xi32, #tpu.memory_space<vmem>>, vector<16x256xi32>,
      %mul3A = arith.constant 256 : i32
      %mul3A_27 = arith.muli %sub3A_23, %mul3A : i32
      %get3A = arith.index_cast %mul3A_27 : i32 to index
      %get3A_28 = arith.constant 0 : index
      %get3A_29 = vector.load %arg17[%get3A, %get3A_28] : memref<10240x1xi32, #tpu.memory_space<vmem>>, vector<1x1xi32>
      %get3A_30 = vector.extract %get3A_29[0, 0] : i32 from vector<1x1xi32>
      %mul3A_31 = arith.constant 256 : i32
      %mul3A_32 = arith.muli %sub3A_23, %mul3A_31 : i32
      %add3A = arith.constant 256 : i32
      %add3A_33 = arith.addi %mul3A_32, %add3A : i32
      %sub3A_34 = arith.constant 1 : i32
      %sub3A_35 = arith.subi %add3A_33, %sub3A_34 : i32
      %get3A_36 = arith.index_cast %sub3A_35 : i32 to index
      %get3A_37 = arith.constant 0 : index
      %get3A_38 = vector.load %arg17[%get3A_36, %get3A_37] : memref<10240x1xi32, #tpu.memory_space<vmem>>, vector<1x1xi32>
      %get3A_39 = vector.extract %get3A_38[0, 0] : i32 from vector<1x1xi32>
      %scan3A = arith.constant 0 : i32
      %scan3A_40 = arith.constant 20 : i32
      %scan3A_41 = arith.addi %scan3A, %scan3A_40 : i32
      %scan3A_42 = arith.constant 1 : i32
      scf.for %scan3A_67 = %scan3A to %scan3A_41 step %scan3A_42  : i32 {
        %mul3A_68 = arith.constant 512 : i32
        %mul3A_69 = arith.muli %scan3A_67, %mul3A_68 : i32
        %get3A_70 = arith.index_cast %mul3A_69 : i32 to index
        %get3A_71 = arith.constant 0 : index
        %get3A_72 = vector.load %arg17[%get3A_70, %get3A_71] : memref<10240x1xi32, #tpu.memory_space<vmem>>, vector<1x1xi32>
        %get3A_73 = vector.extract %get3A_72[0, 0] : i32 from vector<1x1xi32>
        %ge3A_74 = arith.cmpi sge, %get3A_39, %get3A_73 : i32
        %mul3A_75 = arith.constant 512 : i32
        %mul3A_76 = arith.muli %scan3A_67, %mul3A_75 : i32
        %add3A_77 = arith.constant 512 : i32
        %add3A_78 = arith.addi %mul3A_76, %add3A_77 : i32
        %sub3A_79 = arith.constant 1 : i32
        %sub3A_80 = arith.subi %add3A_78, %sub3A_79 : i32
        %get3A_81 = arith.index_cast %sub3A_80 : i32 to index
        %get3A_82 = arith.constant 0 : index
        %get3A_83 = vector.load %arg17[%get3A_81, %get3A_82] : memref<10240x1xi32, #tpu.memory_space<vmem>>, vector<1x1xi32>
        %get3A_84 = vector.extract %get3A_83[0, 0] : i32 from vector<1x1xi32>
        %le3A = arith.cmpi sle, %get3A_30, %get3A_84 : i32
        %and3A_85 = arith.andi %ge3A_74, %le3A : i1
        %convert_element_type3A_86 = arith.extui %and3A_85 : i1 to i32
        %cond3A_87 = arith.constant 0 : i32
        %cond3A_88 = arith.cmpi ne, %convert_element_type3A_86, %cond3A_87 : i32
        scf.if %cond3A_88 {
          %mul3A_89 = arith.constant 256 : i32
          %mul3A_90 = arith.muli %sub3A_23, %mul3A_89 : i32
          %get3A_91 = arith.constant 0 : index
          %get3A_92 = arith.index_cast %mul3A_90 : i32 to index
          %get3A_93 = vector.load %arg16[%get3A_91, %get3A_92] : memref<1x10240xi32, #tpu.memory_space<vmem>>, vector<1x256xi32>
          %mul3A_94 = arith.constant 512 : i32
          %mul3A_95 = arith.muli %scan3A_67, %mul3A_94 : i32
          %get3A_96 = arith.index_cast %mul3A_95 : i32 to index
          %get3A_97 = arith.constant 0 : index
          %get3A_98 = vector.load %arg17[%get3A_96, %get3A_97] : memref<10240x1xi32, #tpu.memory_space<vmem>>, vector<512x1xi32>
          %mul3A_99 = arith.constant 256 : i32
          %mul3A_100 = arith.muli %sub3A_23, %mul3A_99 : i32
          %get3A_101 = arith.index_cast %mul3A_100 : i32 to index
          %get3A_102 = arith.constant 0 : index
          %get3A_103 = vector.load %arg24[%get3A_101, %get3A_102] : memref<10240x16xf32, #tpu.memory_space<vmem>>, vector<256x16xf32>
          %mul3A_104 = arith.constant 512 : i32
          %mul3A_105 = arith.muli %scan3A_67, %mul3A_104 : i32
          %get3A_106 = arith.index_cast %mul3A_105 : i32 to index
          %get3A_107 = arith.constant 0 : index
          %get3A_108 = vector.load %arg24[%get3A_106, %get3A_107] : memref<10240x16xf32, #tpu.memory_space<vmem>>, vector<512x16xf32>
          %mul3A_109 = arith.mulf %get3A_103, %get3A_103 : vector<256x16xf32>
          %reduce_sum3A = arith.constant dense<0.000000e+00> : vector<256xf32>
          %reduce_sum3A_110 = vector.multi_reduction <add>, %mul3A_109, %reduce_sum3A [1] : vector<256x16xf32> to vector<256xf32>
          %broadcast_in_dim3A_111 = vector.shape_cast %reduce_sum3A_110 : vector<256xf32> to vector<1x256xf32>
          %mul3A_112 = arith.mulf %get3A_108, %get3A_108 : vector<512x16xf32>
          %reduce_sum3A_113 = arith.constant dense<0.000000e+00> : vector<512xf32>
          %reduce_sum3A_114 = vector.multi_reduction <add>, %mul3A_112, %reduce_sum3A_113 [1] : vector<512x16xf32> to vector<512xf32>
          %broadcast_in_dim3A_115 = vector.shape_cast %reduce_sum3A_114 : vector<512xf32> to vector<512x1xf32>
          %dot_general3A = arith.constant dense<0.000000e+00> : vector<512x256xf32>
          %dot_general3A_116 = tpu.matmul %get3A_108, %get3A_103, %dot_general3A {dimension_numbers = #tpu.dot_dimension_numbers<[1], [1], [0], [0], [0, 0, 1, 0], [], []>, precision = #tpu.contract_precision<fp32>, transpose_lhs_hint = false} : vector<512x16xf32>, vector<256x16xf32>, vector<512x256xf32> -> vector<512x256xf32>
          %add3A_117 = vector.broadcast %broadcast_in_dim3A_115 : vector<512x1xf32> to vector<512x256xf32>
          %add3A_118 = vector.broadcast %broadcast_in_dim3A_111 : vector<1x256xf32> to vector<512x256xf32>
          %add3A_119 = arith.addf %add3A_117, %add3A_118 : vector<512x256xf32>
          %mul3A_120 = arith.constant 2.000000e+00 : f32
          %mul3A_121 = vector.broadcast %mul3A_120 : f32 to vector<512x256xf32>
          %mul3A_122 = arith.mulf %mul3A_121, %dot_general3A_116 : vector<512x256xf32>
          %sub3A_123 = arith.subf %add3A_119, %mul3A_122 : vector<512x256xf32>
          %eq3A = vector.broadcast %get3A_98 : vector<512x1xi32> to vector<512x256xi32>
          %eq3A_124 = vector.broadcast %get3A_93 : vector<1x256xi32> to vector<512x256xi32>
          %eq3A_125 = arith.cmpi eq, %eq3A, %eq3A_124 : vector<512x256xi32>
          %neg3A = arith.constant 0.000000e+00 : f32
          %neg3A_126 = vector.broadcast %neg3A : f32 to vector<512x256xf32>
          %neg3A_127 = arith.subf %neg3A_126, %sub3A_123 : vector<512x256xf32>
          %jit3A = arith.constant -1.000000e+30 : f32
          %broadcast_in_dim3A_128 = vector.broadcast %jit3A : f32 to vector<512x256xf32>
          %select_n3A = arith.select %eq3A_125, %neg3A_127, %broadcast_in_dim3A_128 : vector<512x256xi1>, vector<512x256xf32>
          %bitcast_convert_type3A_129 = tpu.bitcast %select_n3A : vector<512x256xf32> -> vector<512x256xi32>
          %shift_right_arithmetic3A_130 = arith.constant 31 : i32
          %shift_right_arithmetic3A_131 = vector.broadcast %shift_right_arithmetic3A_130 : i32 to vector<512x256xi32>
          %shift_right_arithmetic3A_132 = arith.shrsi %bitcast_convert_type3A_129, %shift_right_arithmetic3A_131 : vector<512x256xi32>
          %and3A_133 = arith.constant 2147483647 : i32
          %and3A_134 = vector.broadcast %and3A_133 : i32 to vector<512x256xi32>
          %and3A_135 = arith.andi %shift_right_arithmetic3A_132, %and3A_134 : vector<512x256xi32>
          %xor3A_136 = arith.xori %bitcast_convert_type3A_129, %and3A_135 : vector<512x256xi32>
          %mul3A_137 = arith.constant 512 : i32
          %mul3A_138 = arith.muli %scan3A_67, %mul3A_137 : i32
          %iota3A = tpu.iota {dimensions = array<i32: 0>} : vector<512x256xi32>
          %add3A_139 = vector.broadcast %mul3A_138 : i32 to vector<512x256xi32>
          %add3A_140 = arith.addi %add3A_139, %iota3A : vector<512x256xi32>
          %and3A_141 = arith.constant -16384 : i32
          %and3A_142 = vector.broadcast %and3A_141 : i32 to vector<512x256xi32>
          %and3A_143 = arith.andi %xor3A_136, %and3A_142 : vector<512x256xi32>
          %sub3A_144 = arith.constant 16383 : i32
          %sub3A_145 = vector.broadcast %sub3A_144 : i32 to vector<512x256xi32>
          %sub3A_146 = arith.subi %sub3A_145, %add3A_140 : vector<512x256xi32>
          %or3A = arith.ori %and3A_143, %sub3A_146 : vector<512x256xi32>
          %get3A_147 = arith.constant 0 : index
          %get3A_148 = arith.constant 0 : index
          %get3A_149 = vector.load %arg27[%get3A_147, %get3A_148] : memref<16x256xi32, #tpu.memory_space<vmem>>, vector<16x256xi32>
          %concatenate3A = tpu.concatenate %get3A_149, %or3A in 0 : vector<16x256xi32>, vector<512x256xi32> -> vector<528x256xi32>
          %iota3A_150 = tpu.iota {dimensions = array<i32: 0>} : vector<16x256xi32>
          %broadcast_in_dim3A_151 = arith.constant -1900675072 : i32
          %broadcast_in_dim3A_152 = vector.broadcast %broadcast_in_dim3A_151 : i32 to vector<16x256xi32>
          %reduce_max3A = arith.constant dense<-2147483648> : vector<256xi32>
          %reduce_max3A_153 = vector.multi_reduction <maxsi>, %concatenate3A, %reduce_max3A [0] : vector<528x256xi32> to vector<256xi32>
          %broadcast_in_dim3A_154 = vector.shape_cast %reduce_max3A_153 : vector<256xi32> to vector<1x256xi32>
          %eq3A_155 = vector.broadcast %broadcast_in_dim3A_154 : vector<1x256xi32> to vector<528x256xi32>
          %eq3A_156 = arith.cmpi eq, %concatenate3A, %eq3A_155 : vector<528x256xi32>
          %jit3A_157 = arith.constant -2147483648 : i32
          %broadcast_in_dim3A_158 = vector.broadcast %jit3A_157 : i32 to vector<528x256xi32>
          %select_n3A_159 = arith.select %eq3A_156, %broadcast_in_dim3A_158, %concatenate3A : vector<528x256xi1>, vector<528x256xi32>
          %eq3A_160 = arith.constant 0 : i32
          %eq3A_161 = vector.broadcast %eq3A_160 : i32 to vector<16x256xi32>
          %eq3A_162 = arith.cmpi eq, %iota3A_150, %eq3A_161 : vector<16x256xi32>
          %broadcast_in_dim3A_163 = vector.shape_cast %reduce_max3A_153 : vector<256xi32> to vector<1x256xi32>
          %broadcast_in_dim3A_164 = vector.shape_cast %broadcast_in_dim3A_163 : vector<1x256xi32> to vector<1x256xi32>
          %broadcast_in_dim3A_165 = vector.broadcast %broadcast_in_dim3A_164 : vector<1x256xi32> to vector<16x256xi32>
          %select_n3A_166 = arith.select %eq3A_162, %broadcast_in_dim3A_165, %broadcast_in_dim3A_152 : vector<16x256xi1>, vector<16x256xi32>
          %reduce_max3A_167 = arith.constant dense<-2147483648> : vector<256xi32>
          %reduce_max3A_168 = vector.multi_reduction <maxsi>, %select_n3A_159, %reduce_max3A_167 [0] : vector<528x256xi32> to vector<256xi32>
          %broadcast_in_dim3A_169 = vector.shape_cast %reduce_max3A_168 : vector<256xi32> to vector<1x256xi32>
          %eq3A_170 = vector.broadcast %broadcast_in_dim3A_169 : vector<1x256xi32> to vector<528x256xi32>
          %eq3A_171 = arith.cmpi eq, %select_n3A_159, %eq3A_170 : vector<528x256xi32>
          %jit3A_172 = arith.constant -2147483648 : i32
          %broadcast_in_dim3A_173 = vector.broadcast %jit3A_172 : i32 to vector<528x256xi32>
          %select_n3A_174 = arith.select %eq3A_171, %broadcast_in_dim3A_173, %select_n3A_159 : vector<528x256xi1>, vector<528x256xi32>
          %eq3A_175 = arith.constant 1 : i32
          %eq3A_176 = vector.broadcast %eq3A_175 : i32 to vector<16x256xi32>
          %eq3A_177 = arith.cmpi eq, %iota3A_150, %eq3A_176 : vector<16x256xi32>
          %broadcast_in_dim3A_178 = vector.shape_cast %reduce_max3A_168 : vector<256xi32> to vector<1x256xi32>
          %broadcast_in_dim3A_179 = vector.shape_cast %broadcast_in_dim3A_178 : vector<1x256xi32> to vector<1x256xi32>
          %broadcast_in_dim3A_180 = vector.broadcast %broadcast_in_dim3A_179 : vector<1x256xi32> to vector<16x256xi32>
          %select_n3A_181 = arith.select %eq3A_177, %broadcast_in_dim3A_180, %select_n3A_166 : vector<16x256xi1>, vector<16x256xi32>
          %reduce_max3A_182 = arith.constant dense<-2147483648> : vector<256xi32>
          %reduce_max3A_183 = vector.multi_reduction <maxsi>, %select_n3A_174, %reduce_max3A_182 [0] : vector<528x256xi32> to vector<256xi32>
          %broadcast_in_dim3A_184 = vector.shape_cast %reduce_max3A_183 : vector<256xi32> to vector<1x256xi32>
          %eq3A_185 = vector.broadcast %broadcast_in_dim3A_184 : vector<1x256xi32> to vector<528x256xi32>
          %eq3A_186 = arith.cmpi eq, %select_n3A_174, %eq3A_185 : vector<528x256xi32>
          %jit3A_187 = arith.constant -2147483648 : i32
          %broadcast_in_dim3A_188 = vector.broadcast %jit3A_187 : i32 to vector<528x256xi32>
          %select_n3A_189 = arith.select %eq3A_186, %broadcast_in_dim3A_188, %select_n3A_174 : vector<528x256xi1>, vector<528x256xi32>
          %eq3A_190 = arith.constant 2 : i32
          %eq3A_191 = vector.broadcast %eq3A_190 : i32 to vector<16x256xi32>
          %eq3A_192 = arith.cmpi eq, %iota3A_150, %eq3A_191 : vector<16x256xi32>
          %broadcast_in_dim3A_193 = vector.shape_cast %reduce_max3A_183 : vector<256xi32> to vector<1x256xi32>
          %broadcast_in_dim3A_194 = vector.shape_cast %broadcast_in_dim3A_193 : vector<1x256xi32> to vector<1x256xi32>
          %broadcast_in_dim3A_195 = vector.broadcast %broadcast_in_dim3A_194 : vector<1x256xi32> to vector<16x256xi32>
          %select_n3A_196 = arith.select %eq3A_192, %broadcast_in_dim3A_195, %select_n3A_181 : vector<16x256xi1>, vector<16x256xi32>
          %reduce_max3A_197 = arith.constant dense<-2147483648> : vector<256xi32>
          %reduce_max3A_198 = vector.multi_reduction <maxsi>, %select_n3A_189, %reduce_max3A_197 [0] : vector<528x256xi32> to vector<256xi32>
          %broadcast_in_dim3A_199 = vector.shape_cast %reduce_max3A_198 : vector<256xi32> to vector<1x256xi32>
          %eq3A_200 = vector.broadcast %broadcast_in_dim3A_199 : vector<1x256xi32> to vector<528x256xi32>
          %eq3A_201 = arith.cmpi eq, %select_n3A_189, %eq3A_200 : vector<528x256xi32>
          %jit3A_202 = arith.constant -2147483648 : i32
          %broadcast_in_dim3A_203 = vector.broadcast %jit3A_202 : i32 to vector<528x256xi32>
          %select_n3A_204 = arith.select %eq3A_201, %broadcast_in_dim3A_203, %select_n3A_189 : vector<528x256xi1>, vector<528x256xi32>
          %eq3A_205 = arith.constant 3 : i32
          %eq3A_206 = vector.broadcast %eq3A_205 : i32 to vector<16x256xi32>
          %eq3A_207 = arith.cmpi eq, %iota3A_150, %eq3A_206 : vector<16x256xi32>
          %broadcast_in_dim3A_208 = vector.shape_cast %reduce_max3A_198 : vector<256xi32> to vector<1x256xi32>
          %broadcast_in_dim3A_209 = vector.shape_cast %broadcast_in_dim3A_208 : vector<1x256xi32> to vector<1x256xi32>
          %broadcast_in_dim3A_210 = vector.broadcast %broadcast_in_dim3A_209 : vector<1x256xi32> to vector<16x256xi32>
          %select_n3A_211 = arith.select %eq3A_207, %broadcast_in_dim3A_210, %select_n3A_196 : vector<16x256xi1>, vector<16x256xi32>
          %reduce_max3A_212 = arith.constant dense<-2147483648> : vector<256xi32>
          %reduce_max3A_213 = vector.multi_reduction <maxsi>, %select_n3A_204, %reduce_max3A_212 [0] : vector<528x256xi32> to vector<256xi32>
          %broadcast_in_dim3A_214 = vector.shape_cast %reduce_max3A_213 : vector<256xi32> to vector<1x256xi32>
          %eq3A_215 = vector.broadcast %broadcast_in_dim3A_214 : vector<1x256xi32> to vector<528x256xi32>
          %eq3A_216 = arith.cmpi eq, %select_n3A_204, %eq3A_215 : vector<528x256xi32>
          %jit3A_217 = arith.constant -2147483648 : i32
          %broadcast_in_dim3A_218 = vector.broadcast %jit3A_217 : i32 to vector<528x256xi32>
          %select_n3A_219 = arith.select %eq3A_216, %broadcast_in_dim3A_218, %select_n3A_204 : vector<528x256xi1>, vector<528x256xi32>
          %eq3A_220 = arith.constant 4 : i32
          %eq3A_221 = vector.broadcast %eq3A_220 : i32 to vector<16x256xi32>
          %eq3A_222 = arith.cmpi eq, %iota3A_150, %eq3A_221 : vector<16x256xi32>
          %broadcast_in_dim3A_223 = vector.shape_cast %reduce_max3A_213 : vector<256xi32> to vector<1x256xi32>
          %broadcast_in_dim3A_224 = vector.shape_cast %broadcast_in_dim3A_223 : vector<1x256xi32> to vector<1x256xi32>
          %broadcast_in_dim3A_225 = vector.broadcast %broadcast_in_dim3A_224 : vector<1x256xi32> to vector<16x256xi32>
          %select_n3A_226 = arith.select %eq3A_222, %broadcast_in_dim3A_225, %select_n3A_211 : vector<16x256xi1>, vector<16x256xi32>
          %reduce_max3A_227 = arith.constant dense<-2147483648> : vector<256xi32>
          %reduce_max3A_228 = vector.multi_reduction <maxsi>, %select_n3A_219, %reduce_max3A_227 [0] : vector<528x256xi32> to vector<256xi32>
          %broadcast_in_dim3A_229 = vector.shape_cast %reduce_max3A_228 : vector<256xi32> to vector<1x256xi32>
          %eq3A_230 = vector.broadcast %broadcast_in_dim3A_229 : vector<1x256xi32> to vector<528x256xi32>
          %eq3A_231 = arith.cmpi eq, %select_n3A_219, %eq3A_230 : vector<528x256xi32>
          %jit3A_232 = arith.constant -2147483648 : i32
          %broadcast_in_dim3A_233 = vector.broadcast %jit3A_232 : i32 to vector<528x256xi32>
          %select_n3A_234 = arith.select %eq3A_231, %broadcast_in_dim3A_233, %select_n3A_219 : vector<528x256xi1>, vector<528x256xi32>
          %eq3A_235 = arith.constant 5 : i32
          %eq3A_236 = vector.broadcast %eq3A_235 : i32 to vector<16x256xi32>
          %eq3A_237 = arith.cmpi eq, %iota3A_150, %eq3A_236 : vector<16x256xi32>
          %broadcast_in_dim3A_238 = vector.shape_cast %reduce_max3A_228 : vector<256xi32> to vector<1x256xi32>
          %broadcast_in_dim3A_239 = vector.shape_cast %broadcast_in_dim3A_238 : vector<1x256xi32> to vector<1x256xi32>
          %broadcast_in_dim3A_240 = vector.broadcast %broadcast_in_dim3A_239 : vector<1x256xi32> to vector<16x256xi32>
          %select_n3A_241 = arith.select %eq3A_237, %broadcast_in_dim3A_240, %select_n3A_226 : vector<16x256xi1>, vector<16x256xi32>
          %reduce_max3A_242 = arith.constant dense<-2147483648> : vector<256xi32>
          %reduce_max3A_243 = vector.multi_reduction <maxsi>, %select_n3A_234, %reduce_max3A_242 [0] : vector<528x256xi32> to vector<256xi32>
          %broadcast_in_dim3A_244 = vector.shape_cast %reduce_max3A_243 : vector<256xi32> to vector<1x256xi32>
          %eq3A_245 = vector.broadcast %broadcast_in_dim3A_244 : vector<1x256xi32> to vector<528x256xi32>
          %eq3A_246 = arith.cmpi eq, %select_n3A_234, %eq3A_245 : vector<528x256xi32>
          %jit3A_247 = arith.constant -2147483648 : i32
          %broadcast_in_dim3A_248 = vector.broadcast %jit3A_247 : i32 to vector<528x256xi32>
          %select_n3A_249 = arith.select %eq3A_246, %broadcast_in_dim3A_248, %select_n3A_234 : vector<528x256xi1>, vector<528x256xi32>
          %eq3A_250 = arith.constant 6 : i32
          %eq3A_251 = vector.broadcast %eq3A_250 : i32 to vector<16x256xi32>
          %eq3A_252 = arith.cmpi eq, %iota3A_150, %eq3A_251 : vector<16x256xi32>
          %broadcast_in_dim3A_253 = vector.shape_cast %reduce_max3A_243 : vector<256xi32> to vector<1x256xi32>
          %broadcast_in_dim3A_254 = vector.shape_cast %broadcast_in_dim3A_253 : vector<1x256xi32> to vector<1x256xi32>
          %broadcast_in_dim3A_255 = vector.broadcast %broadcast_in_dim3A_254 : vector<1x256xi32> to vector<16x256xi32>
          %select_n3A_256 = arith.select %eq3A_252, %broadcast_in_dim3A_255, %select_n3A_241 : vector<16x256xi1>, vector<16x256xi32>
          %reduce_max3A_257 = arith.constant dense<-2147483648> : vector<256xi32>
          %reduce_max3A_258 = vector.multi_reduction <maxsi>, %select_n3A_249, %reduce_max3A_257 [0] : vector<528x256xi32> to vector<256xi32>
          %broadcast_in_dim3A_259 = vector.shape_cast %reduce_max3A_258 : vector<256xi32> to vector<1x256xi32>
          %eq3A_260 = vector.broadcast %broadcast_in_dim3A_259 : vector<1x256xi32> to vector<528x256xi32>
          %eq3A_261 = arith.cmpi eq, %select_n3A_249, %eq3A_260 : vector<528x256xi32>
          %jit3A_262 = arith.constant -2147483648 : i32
          %broadcast_in_dim3A_263 = vector.broadcast %jit3A_262 : i32 to vector<528x256xi32>
          %select_n3A_264 = arith.select %eq3A_261, %broadcast_in_dim3A_263, %select_n3A_249 : vector<528x256xi1>, vector<528x256xi32>
          %eq3A_265 = arith.constant 7 : i32
          %eq3A_266 = vector.broadcast %eq3A_265 : i32 to vector<16x256xi32>
          %eq3A_267 = arith.cmpi eq, %iota3A_150, %eq3A_266 : vector<16x256xi32>
          %broadcast_in_dim3A_268 = vector.shape_cast %reduce_max3A_258 : vector<256xi32> to vector<1x256xi32>
          %broadcast_in_dim3A_269 = vector.shape_cast %broadcast_in_dim3A_268 : vector<1x256xi32> to vector<1x256xi32>
          %broadcast_in_dim3A_270 = vector.broadcast %broadcast_in_dim3A_269 : vector<1x256xi32> to vector<16x256xi32>
          %select_n3A_271 = arith.select %eq3A_267, %broadcast_in_dim3A_270, %select_n3A_256 : vector<16x256xi1>, vector<16x256xi32>
          %reduce_max3A_272 = arith.constant dense<-2147483648> : vector<256xi32>
          %reduce_max3A_273 = vector.multi_reduction <maxsi>, %select_n3A_264, %reduce_max3A_272 [0] : vector<528x256xi32> to vector<256xi32>
          %broadcast_in_dim3A_274 = vector.shape_cast %reduce_max3A_273 : vector<256xi32> to vector<1x256xi32>
          %eq3A_275 = vector.broadcast %broadcast_in_dim3A_274 : vector<1x256xi32> to vector<528x256xi32>
          %eq3A_276 = arith.cmpi eq, %select_n3A_264, %eq3A_275 : vector<528x256xi32>
          %jit3A_277 = arith.constant -2147483648 : i32
          %broadcast_in_dim3A_278 = vector.broadcast %jit3A_277 : i32 to vector<528x256xi32>
          %select_n3A_279 = arith.select %eq3A_276, %broadcast_in_dim3A_278, %select_n3A_264 : vector<528x256xi1>, vector<528x256xi32>
          %eq3A_280 = arith.constant 8 : i32
          %eq3A_281 = vector.broadcast %eq3A_280 : i32 to vector<16x256xi32>
          %eq3A_282 = arith.cmpi eq, %iota3A_150, %eq3A_281 : vector<16x256xi32>
          %broadcast_in_dim3A_283 = vector.shape_cast %reduce_max3A_273 : vector<256xi32> to vector<1x256xi32>
          %broadcast_in_dim3A_284 = vector.shape_cast %broadcast_in_dim3A_283 : vector<1x256xi32> to vector<1x256xi32>
          %broadcast_in_dim3A_285 = vector.broadcast %broadcast_in_dim3A_284 : vector<1x256xi32> to vector<16x256xi32>
          %select_n3A_286 = arith.select %eq3A_282, %broadcast_in_dim3A_285, %select_n3A_271 : vector<16x256xi1>, vector<16x256xi32>
          %reduce_max3A_287 = arith.constant dense<-2147483648> : vector<256xi32>
          %reduce_max3A_288 = vector.multi_reduction <maxsi>, %select_n3A_279, %reduce_max3A_287 [0] : vector<528x256xi32> to vector<256xi32>
          %broadcast_in_dim3A_289 = vector.shape_cast %reduce_max3A_288 : vector<256xi32> to vector<1x256xi32>
          %eq3A_290 = vector.broadcast %broadcast_in_dim3A_289 : vector<1x256xi32> to vector<528x256xi32>
          %eq3A_291 = arith.cmpi eq, %select_n3A_279, %eq3A_290 : vector<528x256xi32>
          %jit3A_292 = arith.constant -2147483648 : i32
          %broadcast_in_dim3A_293 = vector.broadcast %jit3A_292 : i32 to vector<528x256xi32>
          %select_n3A_294 = arith.select %eq3A_291, %broadcast_in_dim3A_293, %select_n3A_279 : vector<528x256xi1>, vector<528x256xi32>
          %eq3A_295 = arith.constant 9 : i32
          %eq3A_296 = vector.broadcast %eq3A_295 : i32 to vector<16x256xi32>
          %eq3A_297 = arith.cmpi eq, %iota3A_150, %eq3A_296 : vector<16x256xi32>
          %broadcast_in_dim3A_298 = vector.shape_cast %reduce_max3A_288 : vector<256xi32> to vector<1x256xi32>
          %broadcast_in_dim3A_299 = vector.shape_cast %broadcast_in_dim3A_298 : vector<1x256xi32> to vector<1x256xi32>
          %broadcast_in_dim3A_300 = vector.broadcast %broadcast_in_dim3A_299 : vector<1x256xi32> to vector<16x256xi32>
          %select_n3A_301 = arith.select %eq3A_297, %broadcast_in_dim3A_300, %select_n3A_286 : vector<16x256xi1>, vector<16x256xi32>
          %reduce_max3A_302 = arith.constant dense<-2147483648> : vector<256xi32>
          %reduce_max3A_303 = vector.multi_reduction <maxsi>, %select_n3A_294, %reduce_max3A_302 [0] : vector<528x256xi32> to vector<256xi32>
          %broadcast_in_dim3A_304 = vector.shape_cast %reduce_max3A_303 : vector<256xi32> to vector<1x256xi32>
          %eq3A_305 = vector.broadcast %broadcast_in_dim3A_304 : vector<1x256xi32> to vector<528x256xi32>
          %eq3A_306 = arith.cmpi eq, %select_n3A_294, %eq3A_305 : vector<528x256xi32>
          %jit3A_307 = arith.constant -2147483648 : i32
          %broadcast_in_dim3A_308 = vector.broadcast %jit3A_307 : i32 to vector<528x256xi32>
          %select_n3A_309 = arith.select %eq3A_306, %broadcast_in_dim3A_308, %select_n3A_294 : vector<528x256xi1>, vector<528x256xi32>
          %eq3A_310 = arith.constant 10 : i32
          %eq3A_311 = vector.broadcast %eq3A_310 : i32 to vector<16x256xi32>
          %eq3A_312 = arith.cmpi eq, %iota3A_150, %eq3A_311 : vector<16x256xi32>
          %broadcast_in_dim3A_313 = vector.shape_cast %reduce_max3A_303 : vector<256xi32> to vector<1x256xi32>
          %broadcast_in_dim3A_314 = vector.shape_cast %broadcast_in_dim3A_313 : vector<1x256xi32> to vector<1x256xi32>
          %broadcast_in_dim3A_315 = vector.broadcast %broadcast_in_dim3A_314 : vector<1x256xi32> to vector<16x256xi32>
          %select_n3A_316 = arith.select %eq3A_312, %broadcast_in_dim3A_315, %select_n3A_301 : vector<16x256xi1>, vector<16x256xi32>
          %reduce_max3A_317 = arith.constant dense<-2147483648> : vector<256xi32>
          %reduce_max3A_318 = vector.multi_reduction <maxsi>, %select_n3A_309, %reduce_max3A_317 [0] : vector<528x256xi32> to vector<256xi32>
          %broadcast_in_dim3A_319 = vector.shape_cast %reduce_max3A_318 : vector<256xi32> to vector<1x256xi32>
          %eq3A_320 = vector.broadcast %broadcast_in_dim3A_319 : vector<1x256xi32> to vector<528x256xi32>
          %eq3A_321 = arith.cmpi eq, %select_n3A_309, %eq3A_320 : vector<528x256xi32>
          %jit3A_322 = arith.constant -2147483648 : i32
          %broadcast_in_dim3A_323 = vector.broadcast %jit3A_322 : i32 to vector<528x256xi32>
          %select_n3A_324 = arith.select %eq3A_321, %broadcast_in_dim3A_323, %select_n3A_309 : vector<528x256xi1>, vector<528x256xi32>
          %eq3A_325 = arith.constant 11 : i32
          %eq3A_326 = vector.broadcast %eq3A_325 : i32 to vector<16x256xi32>
          %eq3A_327 = arith.cmpi eq, %iota3A_150, %eq3A_326 : vector<16x256xi32>
          %broadcast_in_dim3A_328 = vector.shape_cast %reduce_max3A_318 : vector<256xi32> to vector<1x256xi32>
          %broadcast_in_dim3A_329 = vector.shape_cast %broadcast_in_dim3A_328 : vector<1x256xi32> to vector<1x256xi32>
          %broadcast_in_dim3A_330 = vector.broadcast %broadcast_in_dim3A_329 : vector<1x256xi32> to vector<16x256xi32>
          %select_n3A_331 = arith.select %eq3A_327, %broadcast_in_dim3A_330, %select_n3A_316 : vector<16x256xi1>, vector<16x256xi32>
          %reduce_max3A_332 = arith.constant dense<-2147483648> : vector<256xi32>
          %reduce_max3A_333 = vector.multi_reduction <maxsi>, %select_n3A_324, %reduce_max3A_332 [0] : vector<528x256xi32> to vector<256xi32>
          %broadcast_in_dim3A_334 = vector.shape_cast %reduce_max3A_333 : vector<256xi32> to vector<1x256xi32>
          %eq3A_335 = vector.broadcast %broadcast_in_dim3A_334 : vector<1x256xi32> to vector<528x256xi32>
          %eq3A_336 = arith.cmpi eq, %select_n3A_324, %eq3A_335 : vector<528x256xi32>
          %jit3A_337 = arith.constant -2147483648 : i32
          %broadcast_in_dim3A_338 = vector.broadcast %jit3A_337 : i32 to vector<528x256xi32>
          %select_n3A_339 = arith.select %eq3A_336, %broadcast_in_dim3A_338, %select_n3A_324 : vector<528x256xi1>, vector<528x256xi32>
          %eq3A_340 = arith.constant 12 : i32
          %eq3A_341 = vector.broadcast %eq3A_340 : i32 to vector<16x256xi32>
          %eq3A_342 = arith.cmpi eq, %iota3A_150, %eq3A_341 : vector<16x256xi32>
          %broadcast_in_dim3A_343 = vector.shape_cast %reduce_max3A_333 : vector<256xi32> to vector<1x256xi32>
          %broadcast_in_dim3A_344 = vector.shape_cast %broadcast_in_dim3A_343 : vector<1x256xi32> to vector<1x256xi32>
          %broadcast_in_dim3A_345 = vector.broadcast %broadcast_in_dim3A_344 : vector<1x256xi32> to vector<16x256xi32>
          %select_n3A_346 = arith.select %eq3A_342, %broadcast_in_dim3A_345, %select_n3A_331 : vector<16x256xi1>, vector<16x256xi32>
          %reduce_max3A_347 = arith.constant dense<-2147483648> : vector<256xi32>
          %reduce_max3A_348 = vector.multi_reduction <maxsi>, %select_n3A_339, %reduce_max3A_347 [0] : vector<528x256xi32> to vector<256xi32>
          %broadcast_in_dim3A_349 = vector.shape_cast %reduce_max3A_348 : vector<256xi32> to vector<1x256xi32>
          %eq3A_350 = vector.broadcast %broadcast_in_dim3A_349 : vector<1x256xi32> to vector<528x256xi32>
          %eq3A_351 = arith.cmpi eq, %select_n3A_339, %eq3A_350 : vector<528x256xi32>
          %jit3A_352 = arith.constant -2147483648 : i32
          %broadcast_in_dim3A_353 = vector.broadcast %jit3A_352 : i32 to vector<528x256xi32>
          %select_n3A_354 = arith.select %eq3A_351, %broadcast_in_dim3A_353, %select_n3A_339 : vector<528x256xi1>, vector<528x256xi32>
          %eq3A_355 = arith.constant 13 : i32
          %eq3A_356 = vector.broadcast %eq3A_355 : i32 to vector<16x256xi32>
          %eq3A_357 = arith.cmpi eq, %iota3A_150, %eq3A_356 : vector<16x256xi32>
          %broadcast_in_dim3A_358 = vector.shape_cast %reduce_max3A_348 : vector<256xi32> to vector<1x256xi32>
          %broadcast_in_dim3A_359 = vector.shape_cast %broadcast_in_dim3A_358 : vector<1x256xi32> to vector<1x256xi32>
          %broadcast_in_dim3A_360 = vector.broadcast %broadcast_in_dim3A_359 : vector<1x256xi32> to vector<16x256xi32>
          %select_n3A_361 = arith.select %eq3A_357, %broadcast_in_dim3A_360, %select_n3A_346 : vector<16x256xi1>, vector<16x256xi32>
          %reduce_max3A_362 = arith.constant dense<-2147483648> : vector<256xi32>
          %reduce_max3A_363 = vector.multi_reduction <maxsi>, %select_n3A_354, %reduce_max3A_362 [0] : vector<528x256xi32> to vector<256xi32>
          %broadcast_in_dim3A_364 = vector.shape_cast %reduce_max3A_363 : vector<256xi32> to vector<1x256xi32>
          %eq3A_365 = vector.broadcast %broadcast_in_dim3A_364 : vector<1x256xi32> to vector<528x256xi32>
          %eq3A_366 = arith.cmpi eq, %select_n3A_354, %eq3A_365 : vector<528x256xi32>
          %jit3A_367 = arith.constant -2147483648 : i32
          %broadcast_in_dim3A_368 = vector.broadcast %jit3A_367 : i32 to vector<528x256xi32>
          %select_n3A_369 = arith.select %eq3A_366, %broadcast_in_dim3A_368, %select_n3A_354 : vector<528x256xi1>, vector<528x256xi32>
          %eq3A_370 = arith.constant 14 : i32
          %eq3A_371 = vector.broadcast %eq3A_370 : i32 to vector<16x256xi32>
          %eq3A_372 = arith.cmpi eq, %iota3A_150, %eq3A_371 : vector<16x256xi32>
          %broadcast_in_dim3A_373 = vector.shape_cast %reduce_max3A_363 : vector<256xi32> to vector<1x256xi32>
          %broadcast_in_dim3A_374 = vector.shape_cast %broadcast_in_dim3A_373 : vector<1x256xi32> to vector<1x256xi32>
          %broadcast_in_dim3A_375 = vector.broadcast %broadcast_in_dim3A_374 : vector<1x256xi32> to vector<16x256xi32>
          %select_n3A_376 = arith.select %eq3A_372, %broadcast_in_dim3A_375, %select_n3A_361 : vector<16x256xi1>, vector<16x256xi32>
          %reduce_max3A_377 = arith.constant dense<-2147483648> : vector<256xi32>
          %reduce_max3A_378 = vector.multi_reduction <maxsi>, %select_n3A_369, %reduce_max3A_377 [0] : vector<528x256xi32> to vector<256xi32>
          %eq3A_379 = arith.constant 15 : i32
          %eq3A_380 = vector.broadcast %eq3A_379 : i32 to vector<16x256xi32>
          %eq3A_381 = arith.cmpi eq, %iota3A_150, %eq3A_380 : vector<16x256xi32>
          %broadcast_in_dim3A_382 = vector.shape_cast %reduce_max3A_378 : vector<256xi32> to vector<1x256xi32>
          %broadcast_in_dim3A_383 = vector.shape_cast %broadcast_in_dim3A_382 : vector<1x256xi32> to vector<1x256xi32>
          %broadcast_in_dim3A_384 = vector.broadcast %broadcast_in_dim3A_383 : vector<1x256xi32> to vector<16x256xi32>
          %select_n3A_385 = arith.select %eq3A_381, %broadcast_in_dim3A_384, %select_n3A_376 : vector<16x256xi1>, vector<16x256xi32>
          %swap3A_386 = arith.constant 0 : index
          %swap3A_387 = arith.constant 0 : index
          %swap3A_388 = vector.load %arg27[%swap3A_386, %swap3A_387] : memref<16x256xi32, #tpu.memory_space<vmem>>, vector<16x256xi32>
          tpu.vector_store %arg27[%swap3A_386, %swap3A_387], %select_n3A_385 {strides = array<i32>} : memref<16x256xi32, #tpu.memory_space<vmem>>, vector<16x256xi32>,
        } else {
        }
      }
      %scan3A_43 = arith.constant 20 : i32
      %get3A_44 = arith.constant 0 : index
      %get3A_45 = arith.constant 0 : index
      %get3A_46 = vector.load %arg27[%get3A_44, %get3A_45] : memref<16x256xi32, #tpu.memory_space<vmem>>, vector<16x256xi32>
      %and3A_47 = arith.constant 16383 : i32
      %and3A_48 = vector.broadcast %and3A_47 : i32 to vector<16x256xi32>
      %and3A_49 = arith.andi %get3A_46, %and3A_48 : vector<16x256xi32>
      %sub3A_50 = arith.constant 16383 : i32
      %sub3A_51 = vector.broadcast %sub3A_50 : i32 to vector<16x256xi32>
      %sub3A_52 = arith.subi %sub3A_51, %and3A_49 : vector<16x256xi32>
      %swap3A_53 = arith.constant 0 : index
      %swap3A_54 = arith.constant 0 : index
      %swap3A_55 = vector.load %arg20[%swap3A_53, %swap3A_54] : memref<16x256xi32, #tpu.memory_space<vmem>>, vector<16x256xi32>
      tpu.vector_store %arg20[%swap3A_53, %swap3A_54], %sub3A_52 {strides = array<i32>} : memref<16x256xi32, #tpu.memory_space<vmem>>, vector<16x256xi32>,
      %shift_right_arithmetic3A = arith.constant 31 : i32
      %shift_right_arithmetic3A_56 = vector.broadcast %shift_right_arithmetic3A : i32 to vector<16x256xi32>
      %shift_right_arithmetic3A_57 = arith.shrsi %get3A_46, %shift_right_arithmetic3A_56 : vector<16x256xi32>
      %and3A_58 = arith.constant 2147483647 : i32
      %and3A_59 = vector.broadcast %and3A_58 : i32 to vector<16x256xi32>
      %and3A_60 = arith.andi %shift_right_arithmetic3A_57, %and3A_59 : vector<16x256xi32>
      %xor3A = arith.xori %get3A_46, %and3A_60 : vector<16x256xi32>
      %bitcast_convert_type3A = tpu.bitcast %xor3A : vector<16x256xi32> -> vector<16x256xf32>
      %mul3A_61 = arith.constant 1.000000e+01 : f32
      %mul3A_62 = vector.broadcast %mul3A_61 : f32 to vector<16x256xf32>
      %mul3A_63 = arith.mulf %mul3A_62, %bitcast_convert_type3A : vector<16x256xf32>
      %exp3A = math.exp %mul3A_63 : vector<16x256xf32>
      %swap3A_64 = arith.constant 0 : index
      %swap3A_65 = arith.constant 0 : index
      %swap3A_66 = vector.load %arg21[%swap3A_64, %swap3A_65] : memref<16x256xf32, #tpu.memory_space<vmem>>, vector<16x256xf32>
      tpu.vector_store %arg21[%swap3A_64, %swap3A_65], %exp3A {strides = array<i32>} : memref<16x256xf32, #tpu.memory_space<vmem>>, vector<16x256xf32>,
    } else {
    }
    return
  }
  func.func @transform_0(%arg0: i32) -> (i32, i32) {
    %min3A = arith.constant 39 : i32
    %min3A_0 = arith.minsi %arg0, %min3A : i32
    %c0_i32 = arith.constant 0 : i32
    %c0_i32_1 = arith.constant 0 : i32
    return %min3A_0, %c0_i32 : i32, i32
  }
  func.func @transform_1(%arg0: i32) -> (i32, i32) {
    %c0_i32 = arith.constant 0 : i32
    %c0_i32_0 = arith.constant 0 : i32
    %c0_i32_1 = arith.constant 0 : i32
    return %c0_i32, %c0_i32_0 : i32, i32
  }
  func.func @transform_2(%arg0: i32) -> (i32, i32) {
    %c0_i32 = arith.constant 0 : i32
    %c0_i32_0 = arith.constant 0 : i32
    %c0_i32_1 = arith.constant 0 : i32
    return %c0_i32, %c0_i32_0 : i32, i32
  }
  func.func @transform_3(%arg0: i32) -> (i32, i32) {
    %c0_i32 = arith.constant 0 : i32
    %c0_i32_0 = arith.constant 0 : i32
    %c0_i32_1 = arith.constant 0 : i32
    return %c0_i32, %c0_i32_0 : i32, i32
  }
  func.func @transform_4(%arg0: i32) -> (i32, i32) {
    %c0_i32 = arith.constant 0 : i32
    %c0_i32_0 = arith.constant 0 : i32
    %c0_i32_1 = arith.constant 0 : i32
    return %c0_i32, %c0_i32_0 : i32, i32
  }
  func.func @transform_5(%arg0: i32) -> (i32, i32) {
    %c0_i32 = arith.constant 0 : i32
    %c0_i32_0 = arith.constant 0 : i32
    %c0_i32_1 = arith.constant 0 : i32
    return %c0_i32, %c0_i32_0 : i32, i32
  }
  func.func @transform_6(%arg0: i32) -> (i32, i32) {
    %c0_i32 = arith.constant 0 : i32
    %c0_i32_0 = arith.constant 0 : i32
    %c0_i32_1 = arith.constant 0 : i32
    return %c0_i32, %c0_i32_0 : i32, i32
  }
  func.func @transform_7(%arg0: i32) -> (i32, i32) {
    %c0_i32 = arith.constant 0 : i32
    %c0_i32_0 = arith.constant 0 : i32
    %c0_i32_1 = arith.constant 0 : i32
    return %c0_i32, %c0_i32_0 : i32, i32
  }
  func.func @transform_8(%arg0: i32) -> (i32, i32) {
    %c0_i32 = arith.constant 0 : i32
    %c0_i32_0 = arith.constant 0 : i32
    %c0_i32_1 = arith.constant 0 : i32
    return %c0_i32, %c0_i32_0 : i32, i32
  }
  func.func @transform_9(%arg0: i32) -> (i32, i32) {
    %c0_i32 = arith.constant 0 : i32
    %c0_i32_0 = arith.constant 0 : i32
    %c0_i32_1 = arith.constant 0 : i32
    return %c0_i32, %c0_i32_0 : i32, i32
  }
  func.func @transform_10(%arg0: i32) -> (i32, i32) {
    %c0_i32 = arith.constant 0 : i32
    %c0_i32_0 = arith.constant 0 : i32
    %c0_i32_1 = arith.constant 0 : i32
    return %c0_i32, %c0_i32_0 : i32, i32
  }
  func.func @transform_11(%arg0: i32) -> (i32, i32) {
    %c0_i32 = arith.constant 0 : i32
    %c0_i32_0 = arith.constant 0 : i32
    %c0_i32_1 = arith.constant 0 : i32
    return %c0_i32, %c0_i32_0 : i32, i32
  }
  func.func @transform_12(%arg0: i32) -> (i32, i32) {
    %c0_i32 = arith.constant 0 : i32
    %c0_i32_0 = arith.constant 0 : i32
    %c0_i32_1 = arith.constant 0 : i32
    return %c0_i32, %c0_i32_0 : i32, i32
  }
  func.func @transform_13(%arg0: i32) -> (i32, i32) {
    %c0_i32 = arith.constant 0 : i32
    %c0_i32_0 = arith.constant 0 : i32
    %c0_i32_1 = arith.constant 0 : i32
    return %c0_i32, %c0_i32_0 : i32, i32
  }
  func.func @transform_14(%arg0: i32) -> (i32, i32) {
    %c0_i32 = arith.constant 0 : i32
    %c0_i32_0 = arith.constant 0 : i32
    %c0_i32_1 = arith.constant 0 : i32
    return %c0_i32, %c0_i32_0 : i32, i32
  }
  func.func @transform_15(%arg0: i32) -> (i32, i32) {
    %c0_i32 = arith.constant 0 : i32
    %c0_i32_0 = arith.constant 0 : i32
    %c0_i32_1 = arith.constant 0 : i32
    return %c0_i32, %c0_i32_0 : i32, i32
  }
  func.func @transform_16(%arg0: i32) -> (i32, i32) {
    %c0_i32 = arith.constant 0 : i32
    %c0_i32_0 = arith.constant 0 : i32
    %c0_i32_1 = arith.constant 0 : i32
    return %c0_i32, %c0_i32_0 : i32, i32
  }
  func.func @transform_17(%arg0: i32) -> (i32, i32) {
    %sub3A = arith.constant 80 : i32
    %sub3A_0 = arith.subi %arg0, %sub3A : i32
    %jit3A = arith.constant 0 : i32
    %jit3A_1 = arith.constant 39 : i32
    %max3A = arith.maxsi %jit3A, %sub3A_0 : i32
    %min3A = arith.minsi %jit3A_1, %max3A : i32
    %c0_i32 = arith.constant 0 : i32
    %c0_i32_2 = arith.constant 0 : i32
    return %min3A, %c0_i32 : i32, i32
  }
  func.func @transform_18(%arg0: i32) -> (i32, i32) {
    %sub3A = arith.constant 80 : i32
    %sub3A_0 = arith.subi %arg0, %sub3A : i32
    %jit3A = arith.constant 0 : i32
    %jit3A_1 = arith.constant 39 : i32
    %max3A = arith.maxsi %jit3A, %sub3A_0 : i32
    %min3A = arith.minsi %jit3A_1, %max3A : i32
    %c0_i32 = arith.constant 0 : i32
    %c0_i32_2 = arith.constant 0 : i32
    return %min3A, %c0_i32 : i32, i32
  }
  func.func @transform_19(%arg0: i32) -> (i32, i32) {
    %sub3A = arith.constant 120 : i32
    %sub3A_0 = arith.subi %arg0, %sub3A : i32
    %jit3A = arith.constant 0 : i32
    %jit3A_1 = arith.constant 39 : i32
    %max3A = arith.maxsi %jit3A, %sub3A_0 : i32
    %min3A = arith.minsi %jit3A_1, %max3A : i32
    %c0_i32 = arith.constant 0 : i32
    %c0_i32_2 = arith.constant 0 : i32
    return %c0_i32, %min3A : i32, i32
  }
  func.func @transform_20(%arg0: i32) -> (i32, i32) {
    %sub3A = arith.constant 120 : i32
    %sub3A_0 = arith.subi %arg0, %sub3A : i32
    %jit3A = arith.constant 0 : i32
    %jit3A_1 = arith.constant 39 : i32
    %max3A = arith.maxsi %jit3A, %sub3A_0 : i32
    %min3A = arith.minsi %jit3A_1, %max3A : i32
    %c0_i32 = arith.constant 0 : i32
    %c0_i32_2 = arith.constant 0 : i32
    return %c0_i32, %min3A : i32, i32
  }
}

module attributes {stable_mosaic.version = 14 : i64} {
  func.func @_head_body(%arg0: i32, %arg1: memref<256x128xf32, #tpu.memory_space<vmem>>, %arg2: memref<256x128xf32, #tpu.memory_space<vmem>>, %arg3: memref<128x128xf32, #tpu.memory_space<vmem>>, %arg4: memref<128x128xf32, #tpu.memory_space<vmem>>, %arg5: memref<1x128xf32, #tpu.memory_space<vmem>>, %arg6: memref<1x128xf32, #tpu.memory_space<vmem>>, %arg7: memref<1x128xf32, #tpu.memory_space<vmem>>, %arg8: memref<256x128xf32, #tpu.memory_space<vmem>>, %arg9: memref<10240x128xf32, #tpu.memory_space<vmem>>, %arg10: memref<8x128xf32, #tpu.memory_space<vmem>>) attributes {dimension_semantics = [#tpu.dimension_semantics<arbitrary>], iteration_bounds = array<i64: 80>, scalar_prefetch = 0 : i64, scratch_operands = 2 : i64, tpu.core_type = #tpu.core_type<tc>, window_params = [{transform_indices = @transform_0, window_bounds = array<i64: 256, 128>}, {transform_indices = @transform_1, window_bounds = array<i64: 256, 128>}, {pipeline_mode = #tpu.pipeline_mode<synchronous>, transform_indices = @transform_2, window_bounds = array<i64: 128, 128>}, {pipeline_mode = #tpu.pipeline_mode<synchronous>, transform_indices = @transform_3, window_bounds = array<i64: 128, 128>}, {pipeline_mode = #tpu.pipeline_mode<synchronous>, transform_indices = @transform_4, window_bounds = array<i64: 1, 128>}, {pipeline_mode = #tpu.pipeline_mode<synchronous>, transform_indices = @transform_5, window_bounds = array<i64: 1, 128>}, {pipeline_mode = #tpu.pipeline_mode<synchronous>, transform_indices = @transform_6, window_bounds = array<i64: 1, 128>}, {transform_indices = @transform_7, window_bounds = array<i64: 256, 128>}]} {
    %lt3A = arith.constant 40 : i32
    %lt3A_0 = arith.cmpi slt, %arg0, %lt3A : i32
    %convert_element_type3A = arith.extui %lt3A_0 : i1 to i32
    %cond3A = arith.constant 0 : i32
    %cond3A_1 = arith.cmpi ne, %convert_element_type3A, %cond3A : i32
    scf.if %cond3A_1 {
      %get3A = arith.constant 0 : index
      %get3A_7 = arith.constant 0 : index
      %get3A_8 = vector.load %arg1[%get3A, %get3A_7] : memref<256x128xf32, #tpu.memory_space<vmem>>, vector<256x128xf32>
      %get3A_9 = arith.constant 0 : index
      %get3A_10 = arith.constant 0 : index
      %get3A_11 = vector.load %arg3[%get3A_9, %get3A_10] : memref<128x128xf32, #tpu.memory_space<vmem>>, vector<128x128xf32>
      %dot_general3A = arith.constant dense<0.000000e+00> : vector<256x128xf32>
      %dot_general3A_12 = tpu.matmul %get3A_8, %get3A_11, %dot_general3A {dimension_numbers = #tpu.dot_dimension_numbers<[1], [0], [0], [1], [0, 0, 1, 1], [], []>, transpose_lhs_hint = false} : vector<256x128xf32>, vector<128x128xf32>, vector<256x128xf32> -> vector<256x128xf32>
      %get3A_13 = arith.constant 0 : index
      %get3A_14 = arith.constant 0 : index
      %get3A_15 = vector.load %arg2[%get3A_13, %get3A_14] : memref<256x128xf32, #tpu.memory_space<vmem>>, vector<256x128xf32>
      %get3A_16 = arith.constant 0 : index
      %get3A_17 = arith.constant 0 : index
      %get3A_18 = vector.load %arg4[%get3A_16, %get3A_17] : memref<128x128xf32, #tpu.memory_space<vmem>>, vector<128x128xf32>
      %dot_general3A_19 = arith.constant dense<0.000000e+00> : vector<256x128xf32>
      %dot_general3A_20 = tpu.matmul %get3A_15, %get3A_18, %dot_general3A_19 {dimension_numbers = #tpu.dot_dimension_numbers<[1], [0], [0], [1], [0, 0, 1, 1], [], []>, transpose_lhs_hint = false} : vector<256x128xf32>, vector<128x128xf32>, vector<256x128xf32> -> vector<256x128xf32>
      %add3A = arith.addf %dot_general3A_12, %dot_general3A_20 : vector<256x128xf32>
      %get3A_21 = arith.constant 0 : index
      %get3A_22 = arith.constant 0 : index
      %get3A_23 = vector.load %arg5[%get3A_21, %get3A_22] : memref<1x128xf32, #tpu.memory_space<vmem>>, vector<1x128xf32>
      %add3A_24 = vector.broadcast %get3A_23 : vector<1x128xf32> to vector<256x128xf32>
      %add3A_25 = arith.addf %add3A, %add3A_24 : vector<256x128xf32>
      %mul3A = arith.constant 256 : i32
      %mul3A_26 = arith.muli %arg0, %mul3A : i32
      %swap3A = arith.index_cast %mul3A_26 : i32 to index
      %swap3A_27 = arith.constant 0 : index
      %swap3A_28 = vector.load %arg9[%swap3A, %swap3A_27] : memref<10240x128xf32, #tpu.memory_space<vmem>>, vector<256x128xf32>
      tpu.vector_store %arg9[%swap3A, %swap3A_27], %add3A_25 {strides = array<i32>} : memref<10240x128xf32, #tpu.memory_space<vmem>>, vector<256x128xf32>,
      %mul3A_29 = arith.constant 256 : i32
      %mul3A_30 = arith.muli %arg0, %mul3A_29 : i32
      %iota3A = tpu.iota {dimensions = array<i32: 0>} : vector<256x128xi32>
      %add3A_31 = vector.broadcast %mul3A_30 : i32 to vector<256x128xi32>
      %add3A_32 = arith.addi %add3A_31, %iota3A : vector<256x128xi32>
      %lt3A_33 = arith.constant 10000 : i32
      %lt3A_34 = vector.broadcast %lt3A_33 : i32 to vector<256x128xi32>
      %lt3A_35 = arith.cmpi slt, %add3A_32, %lt3A_34 : vector<256x128xi32>
      %jit3A = arith.constant 0.000000e+00 : f32
      %broadcast_in_dim3A = vector.broadcast %jit3A : f32 to vector<256x128xf32>
      %select_n3A = arith.select %lt3A_35, %add3A_25, %broadcast_in_dim3A : vector<256x128xi1>, vector<256x128xf32>
      %reduce_sum3A = arith.constant dense<0.000000e+00> : vector<128xf32>
      %reduce_sum3A_36 = vector.multi_reduction <add>, %select_n3A, %reduce_sum3A [0] : vector<256x128xf32> to vector<128xf32>
      %mul3A_37 = arith.mulf %select_n3A, %select_n3A : vector<256x128xf32>
      %reduce_sum3A_38 = arith.constant dense<0.000000e+00> : vector<128xf32>
      %reduce_sum3A_39 = vector.multi_reduction <add>, %mul3A_37, %reduce_sum3A_38 [0] : vector<256x128xf32> to vector<128xf32>
      %iota3A_40 = tpu.iota {dimensions = array<i32: 0>} : vector<8x128xi32>
      %eq3A = arith.constant 0 : i32
      %eq3A_41 = vector.broadcast %eq3A : i32 to vector<8x128xi32>
      %eq3A_42 = arith.cmpi eq, %iota3A_40, %eq3A_41 : vector<8x128xi32>
      %broadcast_in_dim3A_43 = vector.shape_cast %reduce_sum3A_36 : vector<128xf32> to vector<1x128xf32>
      %jit3A_44 = arith.constant 0.000000e+00 : f32
      %broadcast_in_dim3A_45 = vector.shape_cast %broadcast_in_dim3A_43 : vector<1x128xf32> to vector<1x128xf32>
      %broadcast_in_dim3A_46 = vector.broadcast %broadcast_in_dim3A_45 : vector<1x128xf32> to vector<8x128xf32>
      %broadcast_in_dim3A_47 = vector.broadcast %jit3A_44 : f32 to vector<8x128xf32>
      %select_n3A_48 = arith.select %eq3A_42, %broadcast_in_dim3A_46, %broadcast_in_dim3A_47 : vector<8x128xi1>, vector<8x128xf32>
      %eq3A_49 = arith.constant 1 : i32
      %eq3A_50 = vector.broadcast %eq3A_49 : i32 to vector<8x128xi32>
      %eq3A_51 = arith.cmpi eq, %iota3A_40, %eq3A_50 : vector<8x128xi32>
      %broadcast_in_dim3A_52 = vector.shape_cast %reduce_sum3A_39 : vector<128xf32> to vector<1x128xf32>
      %jit3A_53 = arith.constant 0.000000e+00 : f32
      %broadcast_in_dim3A_54 = vector.shape_cast %broadcast_in_dim3A_52 : vector<1x128xf32> to vector<1x128xf32>
      %broadcast_in_dim3A_55 = vector.broadcast %broadcast_in_dim3A_54 : vector<1x128xf32> to vector<8x128xf32>
      %broadcast_in_dim3A_56 = vector.broadcast %jit3A_53 : f32 to vector<8x128xf32>
      %select_n3A_57 = arith.select %eq3A_51, %broadcast_in_dim3A_55, %broadcast_in_dim3A_56 : vector<8x128xi1>, vector<8x128xf32>
      %add3A_58 = arith.addf %select_n3A_48, %select_n3A_57 : vector<8x128xf32>
      %eq3A_59 = arith.constant 0 : i32
      %eq3A_60 = arith.cmpi eq, %arg0, %eq3A_59 : i32
      %convert_element_type3A_61 = arith.extui %eq3A_60 : i1 to i32
      %cond3A_62 = arith.constant 0 : i32
      %cond3A_63 = arith.cmpi ne, %convert_element_type3A_61, %cond3A_62 : i32
      scf.if %cond3A_63 {
        %swap3A_68 = arith.constant 0 : index
        %swap3A_69 = arith.constant 0 : index
        %swap3A_70 = vector.load %arg10[%swap3A_68, %swap3A_69] : memref<8x128xf32, #tpu.memory_space<vmem>>, vector<8x128xf32>
        tpu.vector_store %arg10[%swap3A_68, %swap3A_69], %add3A_58 {strides = array<i32>} : memref<8x128xf32, #tpu.memory_space<vmem>>, vector<8x128xf32>,
      } else {
      }
      %gt3A = arith.constant 0 : i32
      %gt3A_64 = arith.cmpi sgt, %arg0, %gt3A : i32
      %convert_element_type3A_65 = arith.extui %gt3A_64 : i1 to i32
      %cond3A_66 = arith.constant 0 : i32
      %cond3A_67 = arith.cmpi ne, %convert_element_type3A_65, %cond3A_66 : i32
      scf.if %cond3A_67 {
        %get3A_68 = arith.constant 0 : index
        %get3A_69 = arith.constant 0 : index
        %get3A_70 = vector.load %arg10[%get3A_68, %get3A_69] : memref<8x128xf32, #tpu.memory_space<vmem>>, vector<8x128xf32>
        %add3A_71 = arith.addf %get3A_70, %add3A_58 : vector<8x128xf32>
        %swap3A_72 = arith.constant 0 : index
        %swap3A_73 = arith.constant 0 : index
        %swap3A_74 = vector.load %arg10[%swap3A_72, %swap3A_73] : memref<8x128xf32, #tpu.memory_space<vmem>>, vector<8x128xf32>
        tpu.vector_store %arg10[%swap3A_72, %swap3A_73], %add3A_71 {strides = array<i32>} : memref<8x128xf32, #tpu.memory_space<vmem>>, vector<8x128xf32>,
      } else {
      }
    } else {
    }
    %ge3A = arith.constant 40 : i32
    %ge3A_2 = arith.cmpi sge, %arg0, %ge3A : i32
    %convert_element_type3A_3 = arith.extui %ge3A_2 : i1 to i32
    %cond3A_4 = arith.constant 9.99999974E-5 : f32
    %cond3A_5 = arith.constant 0 : i32
    %cond3A_6 = arith.cmpi ne, %convert_element_type3A_3, %cond3A_5 : i32
    scf.if %cond3A_6 {
      %sub3A = arith.constant 40 : i32
      %sub3A_7 = arith.subi %arg0, %sub3A : i32
      %get3A = arith.constant 0 : index
      %get3A_8 = arith.constant 0 : index
      %get3A_9 = vector.load %arg10[%get3A, %get3A_8] : memref<8x128xf32, #tpu.memory_space<vmem>>, vector<8x128xf32>
      %slice3A = vector.extract_strided_slice %get3A_9 {offsets = [0, 0], sizes = [1, 128], strides = [1, 1]} : vector<8x128xf32> to vector<1x128xf32>
      %mul3A = vector.broadcast %cond3A_4 : f32 to vector<1x128xf32>
      %mul3A_10 = arith.mulf %slice3A, %mul3A : vector<1x128xf32>
      %slice3A_11 = vector.extract_strided_slice %get3A_9 {offsets = [1, 0], sizes = [1, 128], strides = [1, 1]} : vector<8x128xf32> to vector<1x128xf32>
      %mul3A_12 = vector.broadcast %cond3A_4 : f32 to vector<1x128xf32>
      %mul3A_13 = arith.mulf %slice3A_11, %mul3A_12 : vector<1x128xf32>
      %mul3A_14 = arith.mulf %mul3A_10, %mul3A_10 : vector<1x128xf32>
      %sub3A_15 = arith.subf %mul3A_13, %mul3A_14 : vector<1x128xf32>
      %get3A_16 = arith.constant 0 : index
      %get3A_17 = arith.constant 0 : index
      %get3A_18 = vector.load %arg6[%get3A_16, %get3A_17] : memref<1x128xf32, #tpu.memory_space<vmem>>, vector<1x128xf32>
      %add3A = arith.constant 9.99999974E-6 : f32
      %add3A_19 = vector.broadcast %add3A : f32 to vector<1x128xf32>
      %add3A_20 = arith.addf %sub3A_15, %add3A_19 : vector<1x128xf32>
      %rsqrt3A = math.rsqrt %add3A_20 : vector<1x128xf32>
      %mul3A_21 = arith.mulf %get3A_18, %rsqrt3A : vector<1x128xf32>
      %get3A_22 = arith.constant 0 : index
      %get3A_23 = arith.constant 0 : index
      %get3A_24 = vector.load %arg7[%get3A_22, %get3A_23] : memref<1x128xf32, #tpu.memory_space<vmem>>, vector<1x128xf32>
      %mul3A_25 = arith.mulf %mul3A_10, %mul3A_21 : vector<1x128xf32>
      %sub3A_26 = arith.subf %get3A_24, %mul3A_25 : vector<1x128xf32>
      %mul3A_27 = arith.constant 256 : i32
      %mul3A_28 = arith.muli %sub3A_7, %mul3A_27 : i32
      %get3A_29 = arith.index_cast %mul3A_28 : i32 to index
      %get3A_30 = arith.constant 0 : index
      %get3A_31 = vector.load %arg9[%get3A_29, %get3A_30] : memref<10240x128xf32, #tpu.memory_space<vmem>>, vector<256x128xf32>
      %mul3A_32 = vector.broadcast %mul3A_21 : vector<1x128xf32> to vector<256x128xf32>
      %mul3A_33 = arith.mulf %get3A_31, %mul3A_32 : vector<256x128xf32>
      %add3A_34 = vector.broadcast %sub3A_26 : vector<1x128xf32> to vector<256x128xf32>
      %add3A_35 = arith.addf %mul3A_33, %add3A_34 : vector<256x128xf32>
      %swap3A = arith.constant 0 : index
      %swap3A_36 = arith.constant 0 : index
      %swap3A_37 = vector.load %arg8[%swap3A, %swap3A_36] : memref<256x128xf32, #tpu.memory_space<vmem>>, vector<256x128xf32>
      tpu.vector_store %arg8[%swap3A, %swap3A_36], %add3A_35 {strides = array<i32>} : memref<256x128xf32, #tpu.memory_space<vmem>>, vector<256x128xf32>,
    } else {
    }
    return
  }
  func.func @transform_0(%arg0: i32) -> (i32, i32) {
    %min3A = arith.constant 39 : i32
    %min3A_0 = arith.minsi %arg0, %min3A : i32
    %c0_i32 = arith.constant 0 : i32
    %c0_i32_1 = arith.constant 0 : i32
    return %min3A_0, %c0_i32 : i32, i32
  }
  func.func @transform_1(%arg0: i32) -> (i32, i32) {
    %min3A = arith.constant 39 : i32
    %min3A_0 = arith.minsi %arg0, %min3A : i32
    %c0_i32 = arith.constant 0 : i32
    %c0_i32_1 = arith.constant 0 : i32
    return %min3A_0, %c0_i32 : i32, i32
  }
  func.func @transform_2(%arg0: i32) -> (i32, i32) {
    %c0_i32 = arith.constant 0 : i32
    %c0_i32_0 = arith.constant 0 : i32
    %c0_i32_1 = arith.constant 0 : i32
    return %c0_i32, %c0_i32_0 : i32, i32
  }
  func.func @transform_3(%arg0: i32) -> (i32, i32) {
    %c0_i32 = arith.constant 0 : i32
    %c0_i32_0 = arith.constant 0 : i32
    %c0_i32_1 = arith.constant 0 : i32
    return %c0_i32, %c0_i32_0 : i32, i32
  }
  func.func @transform_4(%arg0: i32) -> (i32, i32) {
    %c0_i32 = arith.constant 0 : i32
    %c0_i32_0 = arith.constant 0 : i32
    %c0_i32_1 = arith.constant 0 : i32
    return %c0_i32, %c0_i32_0 : i32, i32
  }
  func.func @transform_5(%arg0: i32) -> (i32, i32) {
    %c0_i32 = arith.constant 0 : i32
    %c0_i32_0 = arith.constant 0 : i32
    %c0_i32_1 = arith.constant 0 : i32
    return %c0_i32, %c0_i32_0 : i32, i32
  }
  func.func @transform_6(%arg0: i32) -> (i32, i32) {
    %c0_i32 = arith.constant 0 : i32
    %c0_i32_0 = arith.constant 0 : i32
    %c0_i32_1 = arith.constant 0 : i32
    return %c0_i32, %c0_i32_0 : i32, i32
  }
  func.func @transform_7(%arg0: i32) -> (i32, i32) {
    %sub3A = arith.constant 40 : i32
    %sub3A_0 = arith.subi %arg0, %sub3A : i32
    %jit3A = arith.constant 0 : i32
    %jit3A_1 = arith.constant 39 : i32
    %max3A = arith.maxsi %jit3A, %sub3A_0 : i32
    %min3A = arith.minsi %jit3A_1, %max3A : i32
    %c0_i32 = arith.constant 0 : i32
    %c0_i32_2 = arith.constant 0 : i32
    return %min3A, %c0_i32 : i32, i32
  }
}

</mosaic_0001>

<sc_bundles>
// kernel: kernel.5.cloned.1.call-start
scs
__scs_entry_jumppad:
0x0: {  	(pc) =	sbr.rel $0x88, $3  }
0x1: {  	(tag) =	ssettag $0x0;
	lr =	simm.s32 $0x1  }
0x2: {  	[smem:$0x3F8C] =	sst lr;
	_ =	strace $0xD0000000  }
0x3: {  	_ = 	snop  }
0x4: {  	_ = 	snop  }
0x5: {  	_ = 	snop  }
0x6: {  	_ = 	snop  }
0x7: {  	_ = 	snop  }
__scs_overlays_trampoline_lowered:
0x8: {  	[smem:$0x3F9B] =	sst s0  }
0x9: {  	[smem:$0x3F9C] =	sst s1  }
0xa: {  	[smem:$0x3F9D] =	sst s2  }
0xb: {  	[smem:$0x3F9E] =	sst s3  }
0xc: {  	[smem:$0x3F9F] =	sst s4  }
0xd: {  	[smem:$0x3FA0] =	sst s5  }
0xe: {  	[smem:$0x3FA1] =	sst s6  }
0xf: {  	[smem:$0x3FA2] =	sst s7  }
0x10: {  	[smem:$0x3FA3] =	sst s8  }
0x11: {  	[smem:$0x3FA4] =	sst s9;
	s0 =	simm.s32 @!p0 $0x0  }
0x12: {  	s1 =	sld [smem:$0x3F8A];
	s0 =	simm.s32 @p0 $0x1  }
0x13: {  	[smem:$0x3FA5] =	sst s0;
	s0 =	simm.s32 @!p1 $0x0  }
0x14: {  	s2 =	sld [smem:$0x3F89];
	s0 =	simm.s32 @p1 $0x1  }
0x15: {  	[smem:$0x3FA6] =	sst s0;
	s0 =	simm.s32 @!p2 $0x0  }
0x16: {  	s3 =	sld [smem:$0x3FDB];
	s0 =	simm.s32 @p2 $0x1  }
0x17: {  	s4 =	simm.s32 $0x1BF5;
	[smem:$0x3FA8] =	sst s0  }
0x18: {  	s0 =	sld [smem:$0x3F8B];
	_ =	swait.ge [sflag:s4], $0x0  }
0x19: {  	s7 =	sld [smem:$0x3F8C]  }
0x1a: {  	s8 =	sadd.s32 $0xFFFFE003, lr  }
0x1b: {  	s9 =	sadd.s32 $0xFFFFFEF7, lr;
	s5 =	simm.s32 $0xFFFFFFFF;
	p2 =	slt.u32 s8, $0xFFFFF086  }
0x1c: {  	p1 =	slt.u32 s9, $0xF7A;
	s5 =	simm.s32 @!p2 $0x0  }
0x1d: {  	s5 =	simm.s32 @p1 $0x1;
	p0 =	seq.s32 s7, s2  }
0x1e: {  	s7 =	smul.u32 @!p0 $0xF7A, s2;
	p2 =	seq.s32 @!p0 s5, $0x0  }
0x1f: {  	s9 =	smul.u32 $0xF7A, s1;
	s8 =	simm.s32 @!p0 $0x1BF5;
	p2 =	por !p2, p0  }
0x20: {  	[sflag:s8] =	ssyncset.s32 @!p0 $0xFFFFF086;
	s6 =	sadd.s32 @!p0 s3, s7;
	s7 =	simm.s32 @!p0 $0x108  }
0x21: {  	s3 =	sadd.s32 s3, s9;
	s6 =	sadd.s32 @!p0 $0x88, s6;
	s7 =	simm.s32 @p2 $0x1082  }
0x22: {  	[simem:s7], [sflag:s8] =	dma.local @!p0 [hbm:s6], $0xF7A  }
0x23: {  	s9 =	sor.u32 $0xD0000000, s2;
	s6 =	simm.s32 $0x108;
	_ =	swait.ge @!p0 [sflag:s8], $0x0  }
0x24: {  	s3 =	sadd.s32 $0x88, s3;
	s6 =	simm.s32 @!p1 $0x1082;
	[sflag:s4] =	ssyncset.s32 $0xFFFFF086  }
0x25: {  	[simem:s6], [sflag:s4] =	dma.local [hbm:s3], $0xF7A  }
0x26: {  	[smem:$0x3F8C] =	sst s1;
	(tag) =	ssettag s2;
	_ =	strace s9  }
0x27: {  	s1 =	sld [smem:$0x3F9C]  }
0x28: {  	s2 =	sld [smem:$0x3F9D]  }
0x29: {  	s4 =	sld [smem:$0x3F9F]  }
0x2a: {  	p0 =	seq.s32 s5, $0x0;
	s5 =	sld [smem:$0x3FA0]  }
0x2b: {  	s6 =	sld [smem:$0x3FA1]  }
0x2c: {  	s7 =	sld [smem:$0x3FA2]  }
0x2d: {  	s3 =	simm.s32 $0x108;
	s8 =	sld [smem:$0x3FA3]  }
0x2e: {  	s3 =	simm.s32 @!p0 $0x1082;
	s9 =	sld [smem:$0x3FA4]  }
0x2f: {  	lr =	sadd.s32 s0, s3;
	s0 =	sld [smem:$0x3F9B]  }
0x30: {  	s3 =	sld [smem:$0x3F9E]  }
0x31: {  	[smem:$0x3FA7] =	sst s10  }
0x32: {  	s10 =	sld [smem:$0x3FA5];
	_ =	sdelay $0x3  }
0x33: {  	p0 =	seq.s32 s10, $0x1;
	s10 =	sld [smem:$0x3FA7];
	_ =	sdelay $0x3  }
0x34: {  	[smem:$0x3FA7] =	sst s10  }
0x35: {  	s10 =	sld [smem:$0x3FA6];
	_ =	sdelay $0x3  }
0x36: {  	p1 =	seq.s32 s10, $0x1;
	s10 =	sld [smem:$0x3FA7];
	_ =	sdelay $0x3  }
0x37: {  	[smem:$0x3FA7] =	sst s10  }
0x38: {  	s10 =	sld [smem:$0x3FA8]  }
0x39: {  	_ = 	snop;
	(pc) =	sbr.ind lr, $3  }
0x3a: {  	_ = 	snop  }
0x3b: {  	_ = 	snop  }
0x3c: {  	p2 =	seq.s32 s10, $0x1;
	s10 =	sld [smem:$0x3FA7]  }
0x3d: {  	_ =	shalt  }
0x3e: {  	_ =	shalt  }
0x3f: {  	_ =	shalt  }
0x40: {  	_ =	shalt  }
0x41: {  	_ =	shalt  }
0x42: {  	_ =	shalt  }
0x43: {  	_ =	shalt  }
0x44: {  	_ =	shalt  }
0x45: {  	_ =	shalt  }
0x46: {  	_ =	shalt  }
0x47: {  	_ =	shalt  }
0x48: {  	_ =	shalt  }
0x49: {  	_ =	shalt  }
0x4a: {  	_ =	shalt  }
0x4b: {  	_ =	shalt  }
0x4c: {  	_ =	shalt  }
0x4d: {  	_ =	shalt  }
0x4e: {  	_ =	shalt  }
0x4f: {  	_ =	shalt  }
0x50: {  	_ =	shalt  }
0x51: {  	_ =	shalt  }
0x52: {  	_ =	shalt  }
0x53: {  	_ =	shalt  }
0x54: {  	_ =	shalt  }
0x55: {  	_ =	shalt  }
0x56: {  	_ =	shalt  }
0x57: {  	_ =	shalt  }
0x58: {  	_ =	shalt  }
0x59: {  	_ =	shalt  }
0x5a: {  	_ =	shalt  }
0x5b: {  	_ =	shalt  }
0x5c: {  	_ =	shalt  }
0x5d: {  	_ =	shalt  }
0x5e: {  	_ =	shalt  }
0x5f: {  	_ =	shalt  }
0x60: {  	_ =	shalt  }
0x61: {  	_ =	shalt  }
0x62: {  	_ =	shalt  }
0x63: {  	_ =	shalt  }
0x64: {  	_ =	shalt  }
0x65: {  	_ =	shalt  }
0x66: {  	_ =	shalt  }
0x67: {  	_ =	shalt  }
0x68: {  	_ =	shalt  }
0x69: {  	_ =	shalt  }
0x6a: {  	_ =	shalt  }
0x6b: {  	_ =	shalt  }
0x6c: {  	_ =	shalt  }
0x6d: {  	_ =	shalt  }
0x6e: {  	_ =	shalt  }
0x6f: {  	_ =	shalt  }
0x70: {  	_ =	shalt  }
0x71: {  	_ =	shalt  }
0x72: {  	_ =	shalt  }
0x73: {  	_ =	shalt  }
0x74: {  	_ =	shalt  }
0x75: {  	_ =	shalt  }
0x76: {  	_ =	shalt  }
0x77: {  	_ =	shalt  }
0x78: {  	_ =	shalt  }
0x79: {  	_ =	shalt  }
0x7a: {  	_ =	shalt  }
0x7b: {  	_ =	shalt  }
0x7c: {  	_ =	shalt  }
0x7d: {  	_ =	shalt  }
0x7e: {  	_ =	shalt  }
0x7f: {  	_ =	shalt  }
0x80: {  	_ =	shalt  }
0x81: {  	_ =	shalt  }
0x82: {  	_ =	shalt  }
0x83: {  	_ =	shalt  }
0x84: {  	_ =	shalt  }
0x85: {  	_ =	shalt  }
0x86: {  	_ =	shalt  }
0x87: {  	_ =	shalt  }
.Lfunc_end0:
.L_simem_size_0:
called_computation_lowered:
.L_overlay_start_0:
0x88: {  	s2 =	sld [smem:$0x3FD9]  }
0x89: {  	s3 =	sld [smem:$0x3FFE];
	_ =	sdelay $0x1  }
0x8a: {  	s1 =	srdreg.scid  }
0x8b: {  	s0 =	sand.u32 $0x1, s1  }
0x8c: {  	s17 =	sshll.u32 s0, $0xA;
	s2 =	sadd.s32 s3, s2  }
0x8d: {  	s2 =	sadd.s32 s2, s17  }
0x8e: {  	[smem:$0x3FB3] =	sst s2  }
0x8f: {  	_ = 	snop  }
0x90: {  	s2 =	sld [smem:$0x3FD0];
	(tm) =	ssettm $0x1  }
0x91: {  	s18 =	sld [smem:$0x3FFB];
	_ =	sdelay $0x3  }
0x92: {  	_ =	strace s18  }
0x93: {  	s3 =	sld [smem:$0x3FFC];
	_ =	sdelay $0x3  }
0x94: {  	_ =	strace s3  }
0x95: {  	s3 =	sld [smem:$0x3FFD];
	_ =	sdelay $0x3  }
0x96: {  	_ =	strace s3  }
0x97: {  	_ =	strace $0x8FFFFFFF  }
0x98: {  	s19 =	sld [smem:$0x3FDB];
	_ =	sdelay $0x1  }
0x99: {  	s4 =	simm.s32 $_scs_section_size  }
0x9a: {  	s5 =	simm.s32 $_size__tile_overlayer_lowered;
	s6 =	simm.s32 $_tile_overlayer_lowered  }
0x9b: {  	s22 =	simm.s32 $0x1BFF;
	s21 =	sshll.u32 s6, $0x1;
	s3 =	sadd.s32 s4, s19  }
0x9c: {  	s7 =	simm.s32 $0x0;
	s20 =	sshll.u32 s5, $0x1;
	s5 =	sadd.s32 s21, s3  }
0x9d: {  	[timem:s7], [sflag:s22] =	dma.local [hbm:s5], s20  }
0x9e: {  	_ =	swait.ge [sflag:s22], s20  }
0x9f: {  	s4 =	ssub.s32 $0x0, s20;
	[sflag:s22] =	ssyncset.done $0x0  }
0xa0: {  	[sflag:s22] =	ssyncadd.s32 s4;
	_ =	sdelay $0x1  }
0xa1: {  	s23 =	simm.s32 $0x1B8B  }
0xa2: {  	_ =	swait.ge [sflag:s23], $0x1  }
0xa3: {  	[sflag:s23] =	ssyncset.done $0x0  }
0xa4: {  	s25 =	simm.s32 $0x1B8E;
	s24 =	sld [smem:$0x3FFE];
	[sflag:s23] =	ssyncadd.s32 $0xFFFFFFFF  }
0xa5: {  	s26 =	simm.s32 $execute0_lowered;
	[smem:$0x3FD2] =	sst s25  }
0xa6: {  	s5 =	sshll.u32 s26, $0x1;
	_ =	strace $0x80000046;
	[dreg:$0x1] =	wrdreg $0xFFFFFFFF  }
0xa7: {  	s28 =	simm.s32 $_size_execute0_lowered;
	s3 =	sadd.s32 s3, s5;
	[dreg:$0x0] =	wrdreg $0x0  }
0xa8: {  	s5 =	sshll.u32 s28, $0x1;
	[dreg:$0x2] =	wrdreg s3  }
0xa9: {  	[dreg:$0x3] =	wrdreg s5  }
0xaa: {  	[dreg:$0x4] =	wrdreg $0xC0  }
0xab: {  	_ =	task [dreg:s7], $0x5FFFF  }
0xac: {  	[dreg:$0x1] =	wrdreg $0xFFFFFFFF  }
0xad: {  	[dreg:$0x0] =	wrdreg $0x60  }
0xae: {  	[dreg:$0x2] =	wrdreg s24  }
0xaf: {  	[dreg:$0x3] =	wrdreg s2  }
0xb0: {  	[dreg:$0x4] =	wrdreg $0x9  }
0xb1: {  	_ =	task.clear_ibuf [dreg:s7], $0x5FFFF;
	_ =	strace $0x90000046  }
0xb2: {  	s29 =	simm.s32 $0x9;
	_ =	strace $0x80000048  }
0xb3: {  	_ =	swait.ge [sflag:s29], $0x1  }
0xb4: {  	[sflag:s29] =	ssyncadd.s32 $0xFFFFFFFF  }
0xb5: {  	_ =	strace $0x90000048  }
0xb6: {  	_ =	sfence  }
0xb7: {  	s30 =	sld [smem:$0x0];
	_ =	sdelay $0x2  }
0xb8: {  	s31 =	sshll.u32 s1, $0xD;
	s1 =	sshrl.u32 s1, $0x2  }
0xb9: {  	s3 =	sand.u32 $0x4000, s31;
	s1 =	sadd.s32 s1, s30  }
0xba: {  	s0 =	sor.u32 s3, s0;
	s1 =	sshll.u32 s1, $0x11  }
0xbb: {  	s0 =	sor.u32 s1, s0  }
0xbc: {  	s0 =	sadd.s32 $0x8F2B, s0  }
0xbd: {  	[sflag:s0] =	ssyncadd.remote.s32 $0x1  }
0xbe: {  	_ =	sfence.sel $0xFFFF  }
0xbf: {  	[dreg:$0x0] =	wrdreg $0xFFFFFFFF;
	(pc) =	sbr.abs _section_cstart, $3  }
0xc0: {  	[dreg:$0x1] =	wrdreg $0xFFFFFFFF  }
0xc1: {  	_ =	task.clear_ibuf [dreg:s7], $0x2FFFF;
	_ =	strace $0x9FFFFFFF  }
0xc2: {  	(tm) =	ssettm $0x7FFFFFFF  }
0xc3: {  	_ =	shalt  }
tec
execute0_lowered:
.L_overlay_start_1:
0x0: {  	(tag) =	ssettag $0x1  }
0x1: {  	s4 =	rddreg [dreg:$0x0];
	s1 =	srdreg.scid  }
0x2: {  	s0 =	stileid.u32;
	s5 =	rddreg [dreg:$0x1];
	s2 =	simm.s32 $0x0  }
0x3: {  	s11 =	simm.s32 $0x1;
	s12 =	simm.s32 $0x80;
	s13 =	simm.s32 $0x6800  }
0x4: {  	s14 =	simm.s32 $0x2;
	s3 =	sand.u32 $0x1, s1;
	s6 =	sshll.u32 s0, $0x1  }
0x5: {  	s15 =	simm.s32 $0xA800;
	s16 =	simm.s32 $0x0;
	s6 =	sor.u32 s3, s6  }
0x6: {  	s1 =	rddreg [dreg:$0x2];
	s8 =	ssub.s32 $0x2, s3;
	s7 =	smul.u32 $0x280, s6  }
0x7: {  	[smem:$0x7FF] =	sst s2;
	s6 =	smul.u32 $0x1400, s6;
	s10 =	sshrl.u32 s8, $0x1  }
0x8: {  	_ =	strace $0x80000047;
	s3 =	sadd.s32 $0x2C00, s4;
	s8 =	ssub.s32 s8, s10  }
0x9: {  	s10 =	simm.s32 $0x2800;
	s9 =	sadd.s32 s7, s4;
	s6 =	sadd.s32 s6, s4  }
0xa: {  	s4 =	sadd.s32 s5, s7;
	s7 =	smax.u32 s8, $0x1;
	s8 =	simm.s32 $0x3  }
0xb: {  	s5 =	sadd.s32 $0x2AC00, s9;
	s6 =	sadd.s32 $0x2FC00, s6;
	s9 =	simm.s32 $0x1400  }
.LBB2_1:
0xc: {  	[tilespmem:s2], [sflag:$0x3] =	stream.linear.gather [hbm4b:s4+s2], $0x1400, $0x38;
	[tilespmem:$0x14800] =	vst v63  }
0xd: {  	_ =	swait.ge [sflag:s8], $0x1400  }
0xe: {  	[sflag:s8] =	ssyncset.done $0x0  }
0xf: {  	[sflag:s8] =	ssyncadd.s32 $0xFFFFEC00  }
0x10: {  	[tilespmem:s9], [sflag:$0x3] =	stream.linear.gather [hbm4b:s5+s2], $0x1400, $0x38;
	[tilespmem:$0x14800] =	vst v63  }
0x11: {  	_ =	swait.ge [sflag:s8], $0x1400  }
0x12: {  	s17 =	simm.s32 $0x80;
	[sflag:s8] =	ssyncset.done $0x0  }
0x13: {  	s18 =	simm.s32 $0x0;
	s19 =	simm.s32 $0x0;
	[sflag:s8] =	ssyncadd.s32 $0xFFFFEC00  }
0x14: {  	[tilespmem:s10], [sflag:$0x1] =	stream.indirect.gather [hbm4b:s3+s12], $0x80, s2, s12, $0xb8;
	[tilespmem:$0x14800] =	vst v63  }
.LBB2_3:
0x15: {  	_ =	swait.ge [sflag:s11], $0x4000;
	s20 =	sshllo.u32 s19, $0x1  }
0x16: {  	[sflag:s11] =	ssyncset.done $0x0;
	s21 =	sshll.u32 s20, $0x7  }
0x17: {  	s22 =	simm.s32 $0x0;
	[sflag:s11] =	ssyncadd.s32 $0xFFFFC000;
	s21 =	sand.u32 $0x3FFFFF80, s21  }
0x18: {  	[tilespmem:s13], [sflag:$0x2] =	stream.indirect.gather [hbm4b:s3+s12], $0x80, s21, s12, $0xb8;
	[tilespmem:$0x14800] =	vst v63  }
0x19: {  	s23 =	simm.s32 $0x2820;
	s24 =	smov.u32 s18;
	s21 =	sshll.u32 s19, $0x4  }
.LBB2_4:
0x1a: {  	s25 =	sadd.s32 $0x0, s24  }
0x1b: {  	v0 =	vmov s25;
	_ =	sdelay $0x3  }
0x1c: {  	s31 =	sadd.s32 $0x1, s24;
	v6 =	vld [tilespmem:s23+$0x10]  }
0x1d: {  	v13 =	vmov s31;
	v3 =	vld.idx.msk [tilespmem:v0+s9+$0x0], $0xffff  }
0x1e: {  	v10 =	vld [tilespmem:s23+$0xFFFFFFE0]  }
0x1f: {  	v1 =	vimm.f32 $0.0e+00;
	v11 =	vld [tilespmem:s23+$0xFFFFFFF0];
	v8 =	vimm.f32 $0.0e+00  }
0x20: {  	v5 =	vimm.f32 $-Inf;
	v7 =	vimm.f32 $0.0e+00;
	v12 =	vld [tilespmem:s23+$0x0];
	v4 =	vimm.f32 $-Inf  }
0x21: {  	s28 =	simm.s32 $0x2;
	s26 =	sadd.s32 $0x80, s23;
	v9 =	vimm.f32 $0.0e+00;
	v2 =	vimm.f32 $-Inf;
	s25 =	sadd.s32 s21, s22;
	v0 =	vimm.f32 $-Inf  }
.LBB2_5:
0x22: {  	s29 =	sadd.s32 s28, s24;
	p0 =	sne.s32 s28, $0xF;
	s28 =	sadd.s32 $0x1, s28;
	v14 =	vmul.f32 v6, v3;
	v15 =	vmov v3;
	v3 =	vld.idx.msk [tilespmem:v13+s9+$0x0], $0xffff  }
.Ltmp0:
0x23: {  	v13 =	vmov s29;
	v6 =	vld [tilespmem:s26+$0x10];
	v16 =	vmul.f32 v10, v15;
	(pc) =	sbr.rel @p0 .LBB2_5-.Ltmp0, $4  }
0x24: {  	v10 =	vld [tilespmem:s26+$0xFFFFFFE0];
	v17 =	vmul.f32 v11, v15;
	v1 =	vadd.f32 v14, v1;
	v0 =	vmax.f32 v0, v14  }
0x25: {  	v11 =	vld [tilespmem:s26+$0xFFFFFFF0];
	v8 =	vadd.f32 v16, v8;
	v5 =	vmax.f32 v5, v16;
	v14 =	vmul.f32 v12, v15  }
0x26: {  	v12 =	vld [tilespmem:s26+$0x0];
	v7 =	vadd.f32 v17, v7;
	v4 =	vmax.f32 v4, v17  }
0x27: {  	s26 =	sadd.s32 $0x80, s26;
	v9 =	vadd.f32 v14, v9;
	v2 =	vmax.f32 v2, v14  }
0x28: {  	_ =	sdelay $0x3  }
0x29: {  	v13 =	vld.idx.msk [tilespmem:v13+s9+$0x0], $0xffff  }
0x2a: {  	v14 =	vld [tilespmem:s26+$0xFFFFFFE0]  }
0x2b: {  	v15 =	vld [tilespmem:s26+$0xFFFFFFF0]  }
0x2c: {  	v16 =	vld [tilespmem:s26+$0x0]  }
0x2d: {  	v17 =	vld [tilespmem:s26+$0x10];
	v59 =	vmul.f32 v6, v3;
	v10 =	vmul.f32 v10, v3  }
0x2e: {  	v11 =	vmul.f32 v11, v3  }
0x2f: {  	v1 =	vadd.f32 v59, v1;
	v8 =	vadd.f32 v10, v8;
	v12 =	vmul.f32 v12, v3  }
0x30: {  	v5 =	vmax.f32 v5, v10;
	v7 =	vadd.f32 v11, v7;
	v14 =	vmul.f32 v14, v13  }
0x31: {  	s25 =	sshll.u32 s25, $0x7;
	v4 =	vmax.f32 v4, v11;
	v15 =	vmul.f32 v15, v13;
	v60 =	vadd.f32 v12, v9  }
0x32: {  	s25 =	sand.u32 $0x3FFFFF80, s25;
	v61 =	vmul.f32 v16, v13;
	v62 =	vmul.f32 v17, v13;
	v5 =	vmax.f32 v5, v14  }
0x33: {  	v2 =	vmax.f32 v2, v12;
	v8 =	vadd.f32 v14, v8;
	v4 =	vmax.f32 v4, v15;
	[tilespmem:s25+$0xA840] =	vst v5  }
0x34: {  	s22 =	sadd.s32 $0x1, s22;
	v0 =	vmax.f32 v0, v59;
	v7 =	vadd.f32 v15, v7;
	v2 =	vmax.f32 v2, v61;
	[tilespmem:s25+$0xA850] =	vst v4  }
0x35: {  	p0 =	sne.s32 s22, $0x8;
	v6 =	vadd.f32 v61, v60;
	v0 =	vmax.f32 v0, v62;
	[tilespmem:s25+$0xA860] =	vst v2;
	v8 =	vmul.f32 $6.250000000e-02, v8  }
.Ltmp1:
0x36: {  	v1 =	vadd.f32 v62, v1;
	[tilespmem:s25+$0xA870] =	vst v0;
	v7 =	vmul.f32 $6.250000000e-02, v7;
	(pc) =	sbr.rel @p0 .LBB2_4-.Ltmp1, $4  }
0x37: {  	v63 =	vmul.f32 $6.250000000e-02, v6;
	[tilespmem:s25+$0xA800] =	vst v8  }
0x38: {  	v1 =	vmul.f32 $6.250000000e-02, v1;
	[tilespmem:s25+$0xA810] =	vst v7  }
0x39: {  	[tilespmem:s25+$0xA820] =	vst v63  }
0x3a: {  	s24 =	sadd.s32 $0x10, s24;
	s23 =	sadd.s32 $0x800, s23;
	[tilespmem:s25+$0xA830] =	vst v1  }
0x3b: {  	_ =	swait.ge [sflag:s14], $0x4000;
	p0 =	seq.s32 s19, $0x13  }
0x3c: {  	s20 =	sshll.u32 s20, $0x3;
	[sflag:s14] =	ssyncset.done $0x0;
	s21 =	sshll.u32 @!p0 s19, $0x8  }
0x3d: {  	s22 =	simm.s32 @!p0 $0x80;
	s23 =	simm.s32 @!p0 $0x2800;
	s21 =	sand.u32 @!p0 $0x3FFFFF00, s21  }
0x3e: {  	s19 =	sadd.s32 $0x1, s19;
	[sflag:s14] =	ssyncadd.s32 $0xFFFFC000;
	s21 =	sadd.s32 @!p0 $0x100, s21  }
0x3f: {  	[tilespmem:s23], [sflag:$0x1] =	stream.indirect.gather @!p0 [hbm4b:s3+s22], $0x80, s21, s22, $0xb8;
	[tilespmem:$0x14800] =	vst v63  }
0x40: {  	s21 =	simm.s32 $0x0;
	s22 =	simm.s32 $0x6820;
	s23 =	smov.u32 s17  }
.LBB2_8:
0x41: {  	s24 =	sadd.s32 $0x0, s23  }
0x42: {  	v0 =	vmov s24;
	_ =	sdelay $0x3  }
0x43: {  	s31 =	sadd.s32 $0x1, s23;
	v6 =	vld [tilespmem:s22+$0x10]  }
0x44: {  	v13 =	vmov s31;
	v3 =	vld.idx.msk [tilespmem:v0+s9+$0x0], $0xffff  }
0x45: {  	v10 =	vld [tilespmem:s22+$0xFFFFFFE0]  }
0x46: {  	v1 =	vimm.f32 $0.0e+00;
	v11 =	vld [tilespmem:s22+$0xFFFFFFF0];
	v8 =	vimm.f32 $0.0e+00  }
0x47: {  	v5 =	vimm.f32 $-Inf;
	v7 =	vimm.f32 $0.0e+00;
	v12 =	vld [tilespmem:s22+$0x0];
	v4 =	vimm.f32 $-Inf  }
0x48: {  	s26 =	simm.s32 $0x2;
	s25 =	sadd.s32 $0x80, s22;
	v9 =	vimm.f32 $0.0e+00;
	v2 =	vimm.f32 $-Inf;
	s24 =	sadd.s32 s20, s21;
	v0 =	vimm.f32 $-Inf  }
.LBB2_9:
0x49: {  	s28 =	sadd.s32 s26, s23;
	p0 =	sne.s32 s26, $0xF;
	s26 =	sadd.s32 $0x1, s26;
	v14 =	vmul.f32 v6, v3;
	v15 =	vmov v3;
	v3 =	vld.idx.msk [tilespmem:v13+s9+$0x0], $0xffff  }
.Ltmp2:
0x4a: {  	v13 =	vmov s28;
	v6 =	vld [tilespmem:s25+$0x10];
	v16 =	vmul.f32 v10, v15;
	(pc) =	sbr.rel @p0 .LBB2_9-.Ltmp2, $4  }
0x4b: {  	v10 =	vld [tilespmem:s25+$0xFFFFFFE0];
	v17 =	vmul.f32 v11, v15;
	v1 =	vadd.f32 v14, v1;
	v0 =	vmax.f32 v0, v14  }
0x4c: {  	v11 =	vld [tilespmem:s25+$0xFFFFFFF0];
	v8 =	vadd.f32 v16, v8;
	v5 =	vmax.f32 v5, v16;
	v14 =	vmul.f32 v12, v15  }
0x4d: {  	v12 =	vld [tilespmem:s25+$0x0];
	v7 =	vadd.f32 v17, v7;
	v4 =	vmax.f32 v4, v17  }
0x4e: {  	s25 =	sadd.s32 $0x80, s25;
	v9 =	vadd.f32 v14, v9;
	v2 =	vmax.f32 v2, v14  }
0x4f: {  	_ =	sdelay $0x3  }
0x50: {  	v13 =	vld.idx.msk [tilespmem:v13+s9+$0x0], $0xffff  }
0x51: {  	v14 =	vld [tilespmem:s25+$0xFFFFFFE0]  }
0x52: {  	v15 =	vld [tilespmem:s25+$0xFFFFFFF0]  }
0x53: {  	v16 =	vld [tilespmem:s25+$0x0]  }
0x54: {  	v17 =	vld [tilespmem:s25+$0x10];
	v59 =	vmul.f32 v6, v3;
	v10 =	vmul.f32 v10, v3  }
0x55: {  	v11 =	vmul.f32 v11, v3  }
0x56: {  	v1 =	vadd.f32 v59, v1;
	v8 =	vadd.f32 v10, v8;
	v12 =	vmul.f32 v12, v3  }
0x57: {  	v5 =	vmax.f32 v5, v10;
	v7 =	vadd.f32 v11, v7;
	v14 =	vmul.f32 v14, v13  }
0x58: {  	s24 =	sshll.u32 s24, $0x7;
	v4 =	vmax.f32 v4, v11;
	v15 =	vmul.f32 v15, v13;
	v60 =	vadd.f32 v12, v9  }
0x59: {  	s24 =	sand.u32 $0x3FFFFF80, s24;
	v61 =	vmul.f32 v16, v13;
	v62 =	vmul.f32 v17, v13;
	v5 =	vmax.f32 v5, v14  }
0x5a: {  	v2 =	vmax.f32 v2, v12;
	v8 =	vadd.f32 v14, v8;
	v4 =	vmax.f32 v4, v15;
	[tilespmem:s24+$0xA840] =	vst v5  }
0x5b: {  	s21 =	sadd.s32 $0x1, s21;
	v0 =	vmax.f32 v0, v59;
	v7 =	vadd.f32 v15, v7;
	v2 =	vmax.f32 v2, v61;
	[tilespmem:s24+$0xA850] =	vst v4  }
0x5c: {  	p0 =	seq.s32 s21, $0x8;
	v6 =	vadd.f32 v61, v60;
	v0 =	vmax.f32 v0, v62;
	[tilespmem:s24+$0xA860] =	vst v2;
	v8 =	vmul.f32 $6.250000000e-02, v8  }
.Ltmp3:
0x5d: {  	v1 =	vadd.f32 v62, v1;
	[tilespmem:s24+$0xA870] =	vst v0;
	v7 =	vmul.f32 $6.250000000e-02, v7;
	(pc) =	sbr.rel @!p0 .LBB2_8-.Ltmp3, $4  }
0x5e: {  	v63 =	vmul.f32 $6.250000000e-02, v6;
	[tilespmem:s24+$0xA800] =	vst v8  }
0x5f: {  	v1 =	vmul.f32 $6.250000000e-02, v1;
	[tilespmem:s24+$0xA810] =	vst v7  }
0x60: {  	[tilespmem:s24+$0xA820] =	vst v63  }
0x61: {  	s23 =	sadd.s32 $0x10, s23;
	s22 =	sadd.s32 $0x800, s22;
	[tilespmem:s24+$0xA830] =	vst v1  }
0x62: {  	p0 =	seq.s32 s19, $0x14  }
.Ltmp4:
0x63: {  	_ = 	snop;
	(pc) =	sbr.rel @!p0 .LBB2_3-.Ltmp4, $2  }
0x64: {  	_ =	sdelay $0x2  }
0x65: {  	s18 =	sadd.s32 $0x100, s18;
	s17 =	sadd.s32 $0x100, s17  }
0x66: {  	s16 =	sadd.s32 $0x1, s16  }
0x67: {  	p0 =	sne.s32 s16, s7  }
.Ltmp5:
0x68: {  	_ = 	snop;
	(pc) =	sbr.rel @p0 .LBB2_1-.Ltmp5, $4  }
0x69: {  	[hbm4b:s6+s2] =	stream.linear.scatter [tilespmem:s15], [sflag:$0x3], $0xA000, $0x38;
	[tilespmem:$0x14800] =	vst v63  }
0x6a: {  	_ =	swait.ge [sflag:s8], $0xA000  }
0x6b: {  	[sflag:s8] =	ssyncset.done $0x0  }
0x6c: {  	[sflag:s8] =	ssyncadd.s32 $0xFFFF6000  }
0x6d: {  	_ =	sfence.sel $0x180000  }
0x6e: {  	[bflag:$0x0] =	sbarrier.arrive $0xFFFF  }
0x6f: {  	p0 =	sne.s32 s0, $0x0;
	_ =	strace $0x90000047  }
0x70: {  	s0 =	sadd.s32 @!p0 $0x100000, s1;
	[bflag:$0x2] =	sbarrier.arrive $0xFFFF  }
0x71: {  	[sflag:s0] =	ssyncadd.tile.s32 @!p0 $0x1;
	_ =	shalt  }
.Lfunc_end2:
_tile_overlayer_lowered:
.L_overlay_start_2:
0x72: {  	(tag) =	ssettag $0x2  }
0x73: {  	s0 =	rddreg [dreg:$0x0];
	s2 =	stileid.u32  }
0x74: {  	s1 =	rddreg [dreg:$0x1];
	p0 =	sne.s32 s2, $0x0  }
0x75: {  	s3 =	rddreg [dreg:$0x2];
	[bflag:$0x3] =	sbarrier.arrive $0xFFFF;
	s2 =	simm.s32 @!p0 $0x1C03  }
0x76: {  	[timem:s3], [sflag:s2] =	dma.local @!p0 [hbm:s0], s1  }
0x77: {  	s0 =	simm.s32 @!p0 $0x3  }
0x78: {  	_ =	swait.ge @!p0 [sflag:s0], s1  }
0x79: {  	s1 =	ssub.s32 @!p0 $0x0, s1;
	[sflag:s0] =	ssyncset.done @!p0 $0x0  }
0x7a: {  	[sflag:s0] =	ssyncadd.s32 @!p0 s1  }
0x7b: {  	[bflag:$0x3] =	sbarrier.arrive $0xFFFF  }
0x7c: {  	_ =	shalt  }

</sc_bundles>
